<compile_context>
chip_gen: v7x
topology: tpu7x:2x2x1
jax: 0.10.2.dev20260603
libtpu: 0.0.44.dev20260713+nightly
codegen_flags: <defaults>
</compile_context>

<pallas_src>
import jax
import jax.numpy as jnp
from jax.experimental import pallas as pl
from jax.experimental.pallas import tpu as pltpu
from jax.experimental.pallas import tpu_sc as plsc

L_EXP = 5
T_STEPS = 20
N_PART = 2048
DX = 8
DY = 8
INIT_VAL = 0.0
L_SEG = 2 ** L_EXP


def _sim_segment_kernel(t_ref, x_ref, sdw_ref, theta_ref, seg_ref):
    del t_ref
    hl = jnp.float32(2.0 ** (-L_EXP))
    theta = theta_ref[...]

    def body(l, x):
        xn = x + (-theta * x) * hl + sdw_ref[0, l]
        seg_ref[l] = xn
        return xn

    jax.lax.fori_loop(0, L_SEG, body, x_ref[...])


def _simulate_segment(x_t, sdw_all_t, t, theta_col):
    return pl.pallas_call(
        _sim_segment_kernel,
        grid_spec=pltpu.PrefetchScalarGridSpec(
            num_scalar_prefetch=1,
            grid=(1,),
            in_specs=[
                pl.BlockSpec((DX, N_PART), lambda i, t: (0, 0)),
                pl.BlockSpec((1, L_SEG, DX, N_PART),
                             lambda i, t: (t[0], 0, 0, 0)),
                pl.BlockSpec((DX, 1), lambda i, t: (0, 0)),
            ],
            out_specs=pl.BlockSpec((L_SEG, DX, N_PART), lambda i, t: (0, 0, 0)),
        ),
        out_shape=jax.ShapeDtypeStruct((L_SEG, DX, N_PART), jnp.float32),
    )(t[None], x_t, sdw_all_t, theta_col)


_SC_LANES = 16
_SC_WORKERS = 32
_SC_CHUNK = N_PART // _SC_WORKERS
_SC_SEARCH_STEPS = 12


def _resample_sc_body(dice_hbm, bins_hbm, xflat_hbm, outx_hbm, outidx_hbm,
                      bins_v, x_v, dice_v, idx_v, rows_v):
    wid = jax.lax.axis_index("s") * 2 + jax.lax.axis_index("c")
    base = wid * _SC_CHUNK
    pltpu.sync_copy(bins_hbm, bins_v)
    pltpu.sync_copy(xflat_hbm, x_v)
    pltpu.sync_copy(dice_hbm.at[pl.ds(base, _SC_CHUNK)], dice_v)
    for v in range(_SC_CHUNK // _SC_LANES):
        d = dice_v[pl.ds(v * _SC_LANES, _SC_LANES)]
        lo = jnp.zeros((_SC_LANES,), jnp.int32)
        hi = jnp.full((_SC_LANES,), N_PART, jnp.int32)
        for _ in range(_SC_SEARCH_STEPS):
            mid = jax.lax.shift_right_logical(lo + hi, 1)
            bm = plsc.load_gather(bins_v, [mid])
            pred = bm <= d
            lo = jnp.where(pred, mid + 1, lo)
            hi = jnp.where(pred, hi, mid)
        idx = jnp.minimum(lo, N_PART - 1)
        idx_v[pl.ds(v * _SC_LANES, _SC_LANES)] = idx
        src_base = jax.lax.shift_left(idx, 3)
        dst_base = jax.lax.shift_left(
            jax.lax.iota(jnp.int32, _SC_LANES) + v * _SC_LANES, 3)
        for col in range(DX):
            vals = plsc.load_gather(x_v, [src_base + col])
            plsc.store_scatter(rows_v, [dst_base + col], vals)
    pltpu.sync_copy(idx_v, outidx_hbm.at[pl.ds(base, _SC_CHUNK)])
    pltpu.sync_copy(rows_v, outx_hbm.at[pl.ds(base * DX, _SC_CHUNK * DX)])


def _resample(dice, bins, x_end):
    call = pl.kernel(
        _resample_sc_body,
        out_type=(jax.ShapeDtypeStruct((N_PART * DX,), jnp.float32),
                  jax.ShapeDtypeStruct((N_PART,), jnp.int32)),
        mesh=plsc.VectorSubcoreMesh(core_axis_name="c", subcore_axis_name="s"),
        compiler_params=pltpu.CompilerParams(needs_layout_passes=False),
        scratch_types=[
            pltpu.VMEM((N_PART,), jnp.float32),
            pltpu.VMEM((N_PART * DX,), jnp.float32),
            pltpu.VMEM((_SC_CHUNK,), jnp.float32),
            pltpu.VMEM((_SC_CHUNK,), jnp.int32),
            pltpu.VMEM((_SC_CHUNK * DX,), jnp.float32),
        ],
    )
    xf, idx = call(dice, bins, x_end.reshape(N_PART * DX))
    return xf.reshape(N_PART, DX), idx


def kernel(input_path, observe_path, theta, sigma_mat):
    key = jax.random.key(42)
    L = L_SEG
    hl = jnp.float32(2.0 ** (-L_EXP))
    theta_col = theta.reshape(DX, 1)

    step_keys = jax.vmap(lambda t: jax.random.fold_in(key, 2 * t))(jnp.arange(T_STEPS))
    sub_keys = jax.vmap(lambda k: jax.random.split(k, L))(step_keys)
    flat_keys = sub_keys.reshape(T_STEPS * L)

    dw_all = jax.vmap(
        lambda k: jax.random.normal(k, (N_PART, DX, 1), dtype=jnp.float32)
    )(flat_keys) * jnp.sqrt(hl)
    sdw_all_t = jnp.einsum('ik,bnko->bin', sigma_mat, dw_all,
                           ).reshape(T_STEPS, L, DX, N_PART)

    dice_all = jax.vmap(
        lambda t: jax.random.uniform(jax.random.fold_in(key, 2 * t + 1),
                                     (N_PART,), dtype=jnp.float32)
    )(jnp.arange(T_STEPS))

    x = jnp.full((DX, N_PART), INIT_VAL, dtype=jnp.float32)
    gn = jnp.zeros(N_PART, dtype=jnp.float32)

    def step(carry, t):
        x, gn = carry
        seg = _simulate_segment(x, sdw_all_t, t, theta_col)
        ui = L * (t + 1)
        x_end = seg[L - 1].T
        x_end = x_end.at[-1].set(input_path[ui])
        gn = -0.5 * jnp.sum((observe_path[t + 1] - x_end) ** 2, axis=-1) + gn
        what = jnp.exp(gn - jnp.max(gn))
        wn = what / jnp.sum(what)
        wn_d = jax.lax.stop_gradient(wn)
        ess = 1.0 / jnp.sum(wn_d ** 2)
        bins = jnp.cumsum(wn_d)
        bins = bins.at[-1].set(jnp.maximum(1.0, bins[-1]))
        x_res, idx = _resample(dice_all[t], bins, x_end)
        do = ess <= N_PART / 2.0
        x_new = jnp.where(do, x_res, x_end)
        gn = jnp.where(do, jnp.zeros(N_PART, dtype=jnp.float32), gn)
        x_new = x_new.at[-1].set(input_path[ui])
        return (x_new.T, gn), (seg, idx, do, wn)

    (_, _), (segs, idx_all, do_all, wn_all) = jax.lax.scan(
        step, (x, gn), jnp.arange(T_STEPS))
    wn_final = wn_all[-1]

    dice1 = jax.random.uniform(jax.random.fold_in(key, 10 ** 6), (1,), dtype=jnp.float32)
    binsf = jnp.cumsum(jax.lax.stop_gradient(wn_final))
    binsf = binsf.at[-1].set(jnp.maximum(1.0, binsf[-1]))
    j = jnp.clip(jnp.sum((binsf <= dice1[0]).astype(jnp.int32)), 0, N_PART - 1)

    slots = jnp.arange(N_PART, dtype=idx_all.dtype)[None, :]
    eff_idx = jnp.where(do_all[:, None], idx_all, slots)
    eff_idx = eff_idx.at[:, -1].set(N_PART - 1)

    def back(c, t):
        c_prev = jax.lax.dynamic_slice(eff_idx, (t - 1, c), (1, 1))[0, 0]
        return c_prev, c

    c0, cs_rev = jax.lax.scan(back, j, jnp.arange(T_STEPS - 1, 0, -1))
    cs = jnp.concatenate([jnp.array([c0]), cs_rev[::-1]])

    def seg_rows(t):
        c = cs[t]
        own = segs[t, :, :, c]
        pin = jax.lax.dynamic_slice_in_dim(input_path, L * t + 1, L)
        return jnp.where(c == N_PART - 1, pin, own)

    rows = jax.vmap(seg_rows)(jnp.arange(T_STEPS)).reshape(T_STEPS * L, DX)
    row0 = jnp.where(cs[0] == N_PART - 1, input_path[0],
                     jnp.zeros(DX, jnp.float32))
    return jnp.concatenate([row0[None], rows], axis=0)

# --- scband reference (transcript-rebuilt; emitter-appended) ---
"""Pipeline reference for scband-condpf-70300024701596 (READ-ONLY COPY).

The authoritative reference and input builder live on the scoring server;
editing this copy changes nothing except your own understanding.
"""

import jax, jax.numpy as jnp
import numpy as np

L_EXP = 5
T_STEPS = 20
N_PART = 2048
DX = 8
DY = 8
INIT_VAL = 0.0


def _mu(x, theta):
    return -theta * x


def _llg(x, y):
    return -0.5 * jnp.sum((y - x) ** 2, axis=-1)


def _unit_path_update(x0, theta, sigma_mat, key):
    hl = jnp.float32(2.0 ** (-L_EXP))
    keys = jax.random.split(key, 2 ** L_EXP)

    def step(x, k):
        dw = jax.random.normal(k, (x.shape[0], DX, 1), dtype=x.dtype) * jnp.sqrt(hl)
        xn = x + _mu(x, theta) * hl + (sigma_mat @ dw)[..., 0]
        return xn, xn

    _, xs = jax.lax.scan(step, x0, keys)
    return xs


def setup_inputs(seed: int = 0):
    key = jax.random.key(seed)
    k1, k2, k3, k4 = jax.random.split(key, 4)
    path_len = 2 ** L_EXP * T_STEPS + 1
    input_path = jax.random.normal(k1, (path_len, DX), dtype=jnp.float32)
    observe_path = jax.random.normal(k2, (T_STEPS + 1, DY), dtype=jnp.float32)
    theta = jax.random.uniform(k3, (DX,), dtype=jnp.float32)
    sigma_mat = 0.3 * jnp.eye(DX, dtype=jnp.float32) + 0.05 * jax.random.normal(k4, (DX, DX), dtype=jnp.float32)
    return {"input_path": input_path, "observe_path": observe_path, "theta": theta, "sigma_mat": sigma_mat}


def reference(input_path, observe_path, theta, sigma_mat):
    key = jax.random.key(42)
    L = 2 ** L_EXP
    TL = L * T_STEPS
    un = jnp.full((TL + 1, N_PART, DX), INIT_VAL, dtype=jnp.float32)
    un_hat = jnp.full((TL + 1, N_PART, DX), INIT_VAL, dtype=jnp.float32)
    gn = jnp.zeros(N_PART, dtype=jnp.float32)
    wn = jnp.full((N_PART,), 1.0 / N_PART, dtype=jnp.float32)
    for t in range(T_STEPS):
        si = L * t
        ui = L * (t + 1)
        un = un.at[: si + 1].set(un_hat[: si + 1])
        seg = _unit_path_update(un[si], theta, sigma_mat, jax.random.fold_in(key, 2 * t))
        un = un.at[si + 1 : ui + 1].set(seg)
        un = un.at[:, -1, :].set(input_path)
        gn = _llg(un[ui], observe_path[t + 1]) + gn
        what = jnp.exp(gn - jnp.max(gn))
        wn = what / jnp.sum(what)
        wn_d = jax.lax.stop_gradient(wn)
        ess = 1.0 / jnp.sum(wn_d ** 2)
        dice = jax.random.uniform(jax.random.fold_in(key, 2 * t + 1), (N_PART,), dtype=jnp.float32)
        bins = jnp.cumsum(wn_d)
        bins = bins.at[-1].set(jnp.maximum(1.0, bins[-1]))
        idx = jnp.clip(jnp.digitize(dice, bins), 0, N_PART - 1)
        resampled = un[: ui + 1][:, idx, :]
        do = ess <= N_PART / 2.0
        new_hat = jnp.where(do, resampled, un[: ui + 1])
        gn = jnp.where(do, jnp.zeros(N_PART, dtype=jnp.float32), gn)
        un_hat = un_hat.at[: ui + 1].set(new_hat)
        un_hat = un_hat.at[:, -1, :].set(input_path)
    dice1 = jax.random.uniform(jax.random.fold_in(key, 10 ** 6), (1,), dtype=jnp.float32)
    binsf = jnp.cumsum(jax.lax.stop_gradient(wn))
    binsf = binsf.at[-1].set(jnp.maximum(1.0, binsf[-1]))
    j = jnp.clip(jnp.digitize(dice1, binsf), 0, N_PART - 1)
    return un[:, j, :][:, 0, :]

if __name__ == "__main__":
    import jax
    _d = setup_inputs()
    print(jax.jit(kernel)(*tuple(_d.values())))

</pallas_src>

<mosaic_0001>
#map = affine_map<(d0, d1) -> (0)>
module attributes {stable_mosaic.version = 14 : i64} {
  func.func @_resample_sc_body(%arg0: i32, %arg1: i32, %arg2: memref<2048xf32, #tpu.memory_space<hbm>>, %arg3: memref<2048xf32, #tpu.memory_space<hbm>>, %arg4: memref<16384xf32, #tpu.memory_space<hbm>>, %arg5: memref<16384xf32, #tpu.memory_space<hbm>>, %arg6: memref<2048xi32, #tpu.memory_space<hbm>>, %arg7: memref<2048xf32, #tpu.memory_space<vmem>>, %arg8: memref<16384xf32, #tpu.memory_space<vmem>>, %arg9: memref<64xf32, #tpu.memory_space<vmem>>, %arg10: memref<64xi32, #tpu.memory_space<vmem>>, %arg11: memref<512xf32, #tpu.memory_space<vmem>>) attributes {dimension_semantics = [#tpu.dimension_semantics<core_parallel>, #tpu.dimension_semantics<subcore_parallel>], iteration_bounds = array<i64: 2, 16>, scalar_prefetch = 0 : i64, scratch_operands = 5 : i64, tpu.core_type = #tpu.core_type<sc_vector_subcore>, window_params = [{transform_indices = #map}, {transform_indices = #map}, {transform_indices = #map}, {transform_indices = #map}, {transform_indices = #map}]} {
    %mul3A = arith.constant 2 : i32
    %mul3A_0 = arith.muli %arg1, %mul3A : i32
    %add3A = arith.addi %mul3A_0, %arg0 : i32
    %mul3A_1 = arith.constant 64 : i32
    %mul3A_2 = arith.muli %add3A, %mul3A_1 : i32
    "tpu.region"() ({
      %run_scoped3A = tpu.sem_alloc : memref<!tpu.dma_semaphore, #tpu.memory_space<semaphore_mem>>
      tpu.enqueue_dma source(%arg3 : memref<2048xf32, #tpu.memory_space<hbm>>) target(%arg7 : memref<2048xf32, #tpu.memory_space<vmem>>) target_semaphore(%run_scoped3A : memref<!tpu.dma_semaphore, #tpu.memory_space<semaphore_mem>>)
      tpu.wait_dma2 semaphore(%run_scoped3A : memref<!tpu.dma_semaphore, #tpu.memory_space<semaphore_mem>>) src(%arg3 : memref<2048xf32, #tpu.memory_space<hbm>>) dst(%arg7 : memref<2048xf32, #tpu.memory_space<vmem>>)
      tpu.yield
    }) : () -> ()
    "tpu.region"() ({
      %run_scoped3A = tpu.sem_alloc : memref<!tpu.dma_semaphore, #tpu.memory_space<semaphore_mem>>
      tpu.enqueue_dma source(%arg4 : memref<16384xf32, #tpu.memory_space<hbm>>) target(%arg8 : memref<16384xf32, #tpu.memory_space<vmem>>) target_semaphore(%run_scoped3A : memref<!tpu.dma_semaphore, #tpu.memory_space<semaphore_mem>>)
      tpu.wait_dma2 semaphore(%run_scoped3A : memref<!tpu.dma_semaphore, #tpu.memory_space<semaphore_mem>>) src(%arg4 : memref<16384xf32, #tpu.memory_space<hbm>>) dst(%arg8 : memref<16384xf32, #tpu.memory_space<vmem>>)
      tpu.yield
    }) : () -> ()
    "tpu.region"() ({
      %run_scoped3A = tpu.sem_alloc : memref<!tpu.dma_semaphore, #tpu.memory_space<semaphore_mem>>
      %dma_start3A = tpu.memref_slice %arg2[%mul3A_2] : memref<2048xf32, #tpu.memory_space<hbm>> -> memref<64xf32, #tpu.memory_space<hbm>>
      %dma_start3A_831 = tpu.memref_slice %arg2[%mul3A_2] : memref<2048xf32, #tpu.memory_space<hbm>> -> memref<64xf32, #tpu.memory_space<hbm>>
      tpu.enqueue_dma source(%dma_start3A_831 : memref<64xf32, #tpu.memory_space<hbm>>) target(%arg9 : memref<64xf32, #tpu.memory_space<vmem>>) target_semaphore(%run_scoped3A : memref<!tpu.dma_semaphore, #tpu.memory_space<semaphore_mem>>)
      %dma_wait3A = tpu.memref_slice %arg2[%mul3A_2] : memref<2048xf32, #tpu.memory_space<hbm>> -> memref<64xf32, #tpu.memory_space<hbm>>
      %dma_wait3A_832 = tpu.memref_slice %arg2[%mul3A_2] : memref<2048xf32, #tpu.memory_space<hbm>> -> memref<64xf32, #tpu.memory_space<hbm>>
      tpu.wait_dma2 semaphore(%run_scoped3A : memref<!tpu.dma_semaphore, #tpu.memory_space<semaphore_mem>>) src(%dma_wait3A_832 : memref<64xf32, #tpu.memory_space<hbm>>) dst(%arg9 : memref<64xf32, #tpu.memory_space<vmem>>)
      tpu.yield
    }) : () -> ()
    %get3A = arith.constant 0 : index
    %get3A_3 = tpu.vector_load %arg9[%get3A] {strides = array<i32>} : memref<64xf32, #tpu.memory_space<vmem>>, vector<16xf32>,
    %broadcast_in_dim3A = arith.constant 0 : i32
    %broadcast_in_dim3A_4 = vector.broadcast %broadcast_in_dim3A : i32 to vector<16xi32>
    %broadcast_in_dim3A_5 = arith.constant 2048 : i32
    %broadcast_in_dim3A_6 = vector.broadcast %broadcast_in_dim3A_5 : i32 to vector<16xi32>
    %add3A_7 = arith.addi %broadcast_in_dim3A_4, %broadcast_in_dim3A_6 : vector<16xi32>
    %shift_right_logical3A = arith.constant 1 : i32
    %shift_right_logical3A_8 = vector.broadcast %shift_right_logical3A : i32 to vector<16xi32>
    %shift_right_logical3A_9 = arith.shrui %add3A_7, %shift_right_logical3A_8 : vector<16xi32>
    %gather3A = tpu.vector_load_idx %arg7[%shift_right_logical3A_9] : memref<2048xf32, #tpu.memory_space<vmem>>[vector<16xi32>], vector<16xf32>,
    %le3A = arith.cmpf ole, %gather3A, %get3A_3 : vector<16xf32>
    %add3A_10 = arith.constant 1 : i32
    %add3A_11 = vector.broadcast %add3A_10 : i32 to vector<16xi32>
    %add3A_12 = arith.addi %shift_right_logical3A_9, %add3A_11 : vector<16xi32>
    %select_n3A = arith.select %le3A, %add3A_12, %broadcast_in_dim3A_4 : vector<16xi1>, vector<16xi32>
    %select_n3A_13 = arith.select %le3A, %broadcast_in_dim3A_6, %shift_right_logical3A_9 : vector<16xi1>, vector<16xi32>
    %add3A_14 = arith.addi %select_n3A, %select_n3A_13 : vector<16xi32>
    %shift_right_logical3A_15 = arith.constant 1 : i32
    %shift_right_logical3A_16 = vector.broadcast %shift_right_logical3A_15 : i32 to vector<16xi32>
    %shift_right_logical3A_17 = arith.shrui %add3A_14, %shift_right_logical3A_16 : vector<16xi32>
    %gather3A_18 = tpu.vector_load_idx %arg7[%shift_right_logical3A_17] : memref<2048xf32, #tpu.memory_space<vmem>>[vector<16xi32>], vector<16xf32>,
    %le3A_19 = arith.cmpf ole, %gather3A_18, %get3A_3 : vector<16xf32>
    %add3A_20 = arith.constant 1 : i32
    %add3A_21 = vector.broadcast %add3A_20 : i32 to vector<16xi32>
    %add3A_22 = arith.addi %shift_right_logical3A_17, %add3A_21 : vector<16xi32>
    %select_n3A_23 = arith.select %le3A_19, %add3A_22, %select_n3A : vector<16xi1>, vector<16xi32>
    %select_n3A_24 = arith.select %le3A_19, %select_n3A_13, %shift_right_logical3A_17 : vector<16xi1>, vector<16xi32>
    %add3A_25 = arith.addi %select_n3A_23, %select_n3A_24 : vector<16xi32>
    %shift_right_logical3A_26 = arith.constant 1 : i32
    %shift_right_logical3A_27 = vector.broadcast %shift_right_logical3A_26 : i32 to vector<16xi32>
    %shift_right_logical3A_28 = arith.shrui %add3A_25, %shift_right_logical3A_27 : vector<16xi32>
    %gather3A_29 = tpu.vector_load_idx %arg7[%shift_right_logical3A_28] : memref<2048xf32, #tpu.memory_space<vmem>>[vector<16xi32>], vector<16xf32>,
    %le3A_30 = arith.cmpf ole, %gather3A_29, %get3A_3 : vector<16xf32>
    %add3A_31 = arith.constant 1 : i32
    %add3A_32 = vector.broadcast %add3A_31 : i32 to vector<16xi32>
    %add3A_33 = arith.addi %shift_right_logical3A_28, %add3A_32 : vector<16xi32>
    %select_n3A_34 = arith.select %le3A_30, %add3A_33, %select_n3A_23 : vector<16xi1>, vector<16xi32>
    %select_n3A_35 = arith.select %le3A_30, %select_n3A_24, %shift_right_logical3A_28 : vector<16xi1>, vector<16xi32>
    %add3A_36 = arith.addi %select_n3A_34, %select_n3A_35 : vector<16xi32>
    %shift_right_logical3A_37 = arith.constant 1 : i32
    %shift_right_logical3A_38 = vector.broadcast %shift_right_logical3A_37 : i32 to vector<16xi32>
    %shift_right_logical3A_39 = arith.shrui %add3A_36, %shift_right_logical3A_38 : vector<16xi32>
    %gather3A_40 = tpu.vector_load_idx %arg7[%shift_right_logical3A_39] : memref<2048xf32, #tpu.memory_space<vmem>>[vector<16xi32>], vector<16xf32>,
    %le3A_41 = arith.cmpf ole, %gather3A_40, %get3A_3 : vector<16xf32>
    %add3A_42 = arith.constant 1 : i32
    %add3A_43 = vector.broadcast %add3A_42 : i32 to vector<16xi32>
    %add3A_44 = arith.addi %shift_right_logical3A_39, %add3A_43 : vector<16xi32>
    %select_n3A_45 = arith.select %le3A_41, %add3A_44, %select_n3A_34 : vector<16xi1>, vector<16xi32>
    %select_n3A_46 = arith.select %le3A_41, %select_n3A_35, %shift_right_logical3A_39 : vector<16xi1>, vector<16xi32>
    %add3A_47 = arith.addi %select_n3A_45, %select_n3A_46 : vector<16xi32>
    %shift_right_logical3A_48 = arith.constant 1 : i32
    %shift_right_logical3A_49 = vector.broadcast %shift_right_logical3A_48 : i32 to vector<16xi32>
    %shift_right_logical3A_50 = arith.shrui %add3A_47, %shift_right_logical3A_49 : vector<16xi32>
    %gather3A_51 = tpu.vector_load_idx %arg7[%shift_right_logical3A_50] : memref<2048xf32, #tpu.memory_space<vmem>>[vector<16xi32>], vector<16xf32>,
    %le3A_52 = arith.cmpf ole, %gather3A_51, %get3A_3 : vector<16xf32>
    %add3A_53 = arith.constant 1 : i32
    %add3A_54 = vector.broadcast %add3A_53 : i32 to vector<16xi32>
    %add3A_55 = arith.addi %shift_right_logical3A_50, %add3A_54 : vector<16xi32>
    %select_n3A_56 = arith.select %le3A_52, %add3A_55, %select_n3A_45 : vector<16xi1>, vector<16xi32>
    %select_n3A_57 = arith.select %le3A_52, %select_n3A_46, %shift_right_logical3A_50 : vector<16xi1>, vector<16xi32>
    %add3A_58 = arith.addi %select_n3A_56, %select_n3A_57 : vector<16xi32>
    %shift_right_logical3A_59 = arith.constant 1 : i32
    %shift_right_logical3A_60 = vector.broadcast %shift_right_logical3A_59 : i32 to vector<16xi32>
    %shift_right_logical3A_61 = arith.shrui %add3A_58, %shift_right_logical3A_60 : vector<16xi32>
    %gather3A_62 = tpu.vector_load_idx %arg7[%shift_right_logical3A_61] : memref<2048xf32, #tpu.memory_space<vmem>>[vector<16xi32>], vector<16xf32>,
    %le3A_63 = arith.cmpf ole, %gather3A_62, %get3A_3 : vector<16xf32>
    %add3A_64 = arith.constant 1 : i32
    %add3A_65 = vector.broadcast %add3A_64 : i32 to vector<16xi32>
    %add3A_66 = arith.addi %shift_right_logical3A_61, %add3A_65 : vector<16xi32>
    %select_n3A_67 = arith.select %le3A_63, %add3A_66, %select_n3A_56 : vector<16xi1>, vector<16xi32>
    %select_n3A_68 = arith.select %le3A_63, %select_n3A_57, %shift_right_logical3A_61 : vector<16xi1>, vector<16xi32>
    %add3A_69 = arith.addi %select_n3A_67, %select_n3A_68 : vector<16xi32>
    %shift_right_logical3A_70 = arith.constant 1 : i32
    %shift_right_logical3A_71 = vector.broadcast %shift_right_logical3A_70 : i32 to vector<16xi32>
    %shift_right_logical3A_72 = arith.shrui %add3A_69, %shift_right_logical3A_71 : vector<16xi32>
    %gather3A_73 = tpu.vector_load_idx %arg7[%shift_right_logical3A_72] : memref<2048xf32, #tpu.memory_space<vmem>>[vector<16xi32>], vector<16xf32>,
    %le3A_74 = arith.cmpf ole, %gather3A_73, %get3A_3 : vector<16xf32>
    %add3A_75 = arith.constant 1 : i32
    %add3A_76 = vector.broadcast %add3A_75 : i32 to vector<16xi32>
    %add3A_77 = arith.addi %shift_right_logical3A_72, %add3A_76 : vector<16xi32>
    %select_n3A_78 = arith.select %le3A_74, %add3A_77, %select_n3A_67 : vector<16xi1>, vector<16xi32>
    %select_n3A_79 = arith.select %le3A_74, %select_n3A_68, %shift_right_logical3A_72 : vector<16xi1>, vector<16xi32>
    %add3A_80 = arith.addi %select_n3A_78, %select_n3A_79 : vector<16xi32>
    %shift_right_logical3A_81 = arith.constant 1 : i32
    %shift_right_logical3A_82 = vector.broadcast %shift_right_logical3A_81 : i32 to vector<16xi32>
    %shift_right_logical3A_83 = arith.shrui %add3A_80, %shift_right_logical3A_82 : vector<16xi32>
    %gather3A_84 = tpu.vector_load_idx %arg7[%shift_right_logical3A_83] : memref<2048xf32, #tpu.memory_space<vmem>>[vector<16xi32>], vector<16xf32>,
    %le3A_85 = arith.cmpf ole, %gather3A_84, %get3A_3 : vector<16xf32>
    %add3A_86 = arith.constant 1 : i32
    %add3A_87 = vector.broadcast %add3A_86 : i32 to vector<16xi32>
    %add3A_88 = arith.addi %shift_right_logical3A_83, %add3A_87 : vector<16xi32>
    %select_n3A_89 = arith.select %le3A_85, %add3A_88, %select_n3A_78 : vector<16xi1>, vector<16xi32>
    %select_n3A_90 = arith.select %le3A_85, %select_n3A_79, %shift_right_logical3A_83 : vector<16xi1>, vector<16xi32>
    %add3A_91 = arith.addi %select_n3A_89, %select_n3A_90 : vector<16xi32>
    %shift_right_logical3A_92 = arith.constant 1 : i32
    %shift_right_logical3A_93 = vector.broadcast %shift_right_logical3A_92 : i32 to vector<16xi32>
    %shift_right_logical3A_94 = arith.shrui %add3A_91, %shift_right_logical3A_93 : vector<16xi32>
    %gather3A_95 = tpu.vector_load_idx %arg7[%shift_right_logical3A_94] : memref<2048xf32, #tpu.memory_space<vmem>>[vector<16xi32>], vector<16xf32>,
    %le3A_96 = arith.cmpf ole, %gather3A_95, %get3A_3 : vector<16xf32>
    %add3A_97 = arith.constant 1 : i32
    %add3A_98 = vector.broadcast %add3A_97 : i32 to vector<16xi32>
    %add3A_99 = arith.addi %shift_right_logical3A_94, %add3A_98 : vector<16xi32>
    %select_n3A_100 = arith.select %le3A_96, %add3A_99, %select_n3A_89 : vector<16xi1>, vector<16xi32>
    %select_n3A_101 = arith.select %le3A_96, %select_n3A_90, %shift_right_logical3A_94 : vector<16xi1>, vector<16xi32>
    %add3A_102 = arith.addi %select_n3A_100, %select_n3A_101 : vector<16xi32>
    %shift_right_logical3A_103 = arith.constant 1 : i32
    %shift_right_logical3A_104 = vector.broadcast %shift_right_logical3A_103 : i32 to vector<16xi32>
    %shift_right_logical3A_105 = arith.shrui %add3A_102, %shift_right_logical3A_104 : vector<16xi32>
    %gather3A_106 = tpu.vector_load_idx %arg7[%shift_right_logical3A_105] : memref<2048xf32, #tpu.memory_space<vmem>>[vector<16xi32>], vector<16xf32>,
    %le3A_107 = arith.cmpf ole, %gather3A_106, %get3A_3 : vector<16xf32>
    %add3A_108 = arith.constant 1 : i32
    %add3A_109 = vector.broadcast %add3A_108 : i32 to vector<16xi32>
    %add3A_110 = arith.addi %shift_right_logical3A_105, %add3A_109 : vector<16xi32>
    %select_n3A_111 = arith.select %le3A_107, %add3A_110, %select_n3A_100 : vector<16xi1>, vector<16xi32>
    %select_n3A_112 = arith.select %le3A_107, %select_n3A_101, %shift_right_logical3A_105 : vector<16xi1>, vector<16xi32>
    %add3A_113 = arith.addi %select_n3A_111, %select_n3A_112 : vector<16xi32>
    %shift_right_logical3A_114 = arith.constant 1 : i32
    %shift_right_logical3A_115 = vector.broadcast %shift_right_logical3A_114 : i32 to vector<16xi32>
    %shift_right_logical3A_116 = arith.shrui %add3A_113, %shift_right_logical3A_115 : vector<16xi32>
    %gather3A_117 = tpu.vector_load_idx %arg7[%shift_right_logical3A_116] : memref<2048xf32, #tpu.memory_space<vmem>>[vector<16xi32>], vector<16xf32>,
    %le3A_118 = arith.cmpf ole, %gather3A_117, %get3A_3 : vector<16xf32>
    %add3A_119 = arith.constant 1 : i32
    %add3A_120 = vector.broadcast %add3A_119 : i32 to vector<16xi32>
    %add3A_121 = arith.addi %shift_right_logical3A_116, %add3A_120 : vector<16xi32>
    %select_n3A_122 = arith.select %le3A_118, %add3A_121, %select_n3A_111 : vector<16xi1>, vector<16xi32>
    %select_n3A_123 = arith.select %le3A_118, %select_n3A_112, %shift_right_logical3A_116 : vector<16xi1>, vector<16xi32>
    %add3A_124 = arith.addi %select_n3A_122, %select_n3A_123 : vector<16xi32>
    %shift_right_logical3A_125 = arith.constant 1 : i32
    %shift_right_logical3A_126 = vector.broadcast %shift_right_logical3A_125 : i32 to vector<16xi32>
    %shift_right_logical3A_127 = arith.shrui %add3A_124, %shift_right_logical3A_126 : vector<16xi32>
    %gather3A_128 = tpu.vector_load_idx %arg7[%shift_right_logical3A_127] : memref<2048xf32, #tpu.memory_space<vmem>>[vector<16xi32>], vector<16xf32>,
    %le3A_129 = arith.cmpf ole, %gather3A_128, %get3A_3 : vector<16xf32>
    %add3A_130 = arith.constant 1 : i32
    %add3A_131 = vector.broadcast %add3A_130 : i32 to vector<16xi32>
    %add3A_132 = arith.addi %shift_right_logical3A_127, %add3A_131 : vector<16xi32>
    %select_n3A_133 = arith.select %le3A_129, %add3A_132, %select_n3A_122 : vector<16xi1>, vector<16xi32>
    %select_n3A_134 = arith.select %le3A_129, %select_n3A_123, %shift_right_logical3A_127 : vector<16xi1>, vector<16xi32>
    %min3A = arith.constant 2047 : i32
    %min3A_135 = vector.broadcast %min3A : i32 to vector<16xi32>
    %min3A_136 = arith.minsi %select_n3A_133, %min3A_135 : vector<16xi32>
    %swap3A = arith.constant 0 : index
    %swap3A_137 = tpu.vector_load %arg10[%swap3A] {strides = array<i32>} : memref<64xi32, #tpu.memory_space<vmem>>, vector<16xi32>,
    tpu.vector_store %arg10[%swap3A], %min3A_136 {strides = array<i32>} : memref<64xi32, #tpu.memory_space<vmem>>, vector<16xi32>,
    %shift_left3A = arith.constant 3 : i32
    %shift_left3A_138 = vector.broadcast %shift_left3A : i32 to vector<16xi32>
    %shift_left3A_139 = arith.shli %min3A_136, %shift_left3A_138 : vector<16xi32>
    %iota3A = tpu.iota {dimensions = array<i32: 0>} : vector<16xi32>
    %add3A_140 = arith.constant 0 : i32
    %add3A_141 = vector.broadcast %add3A_140 : i32 to vector<16xi32>
    %add3A_142 = arith.addi %iota3A, %add3A_141 : vector<16xi32>
    %shift_left3A_143 = arith.constant 3 : i32
    %shift_left3A_144 = vector.broadcast %shift_left3A_143 : i32 to vector<16xi32>
    %shift_left3A_145 = arith.shli %add3A_142, %shift_left3A_144 : vector<16xi32>
    %add3A_146 = arith.constant 0 : i32
    %add3A_147 = vector.broadcast %add3A_146 : i32 to vector<16xi32>
    %add3A_148 = arith.addi %shift_left3A_139, %add3A_147 : vector<16xi32>
    %gather3A_149 = tpu.vector_load_idx %arg8[%add3A_148] : memref<16384xf32, #tpu.memory_space<vmem>>[vector<16xi32>], vector<16xf32>,
    %add3A_150 = arith.constant 0 : i32
    %add3A_151 = vector.broadcast %add3A_150 : i32 to vector<16xi32>
    %add3A_152 = arith.addi %shift_left3A_145, %add3A_151 : vector<16xi32>
    tpu.vector_store_idx %arg11[%add3A_152], %gather3A_149 : memref<512xf32, #tpu.memory_space<vmem>>[vector<16xi32>], vector<16xf32>,
    %add3A_153 = arith.constant 1 : i32
    %add3A_154 = vector.broadcast %add3A_153 : i32 to vector<16xi32>
    %add3A_155 = arith.addi %shift_left3A_139, %add3A_154 : vector<16xi32>
    %gather3A_156 = tpu.vector_load_idx %arg8[%add3A_155] : memref<16384xf32, #tpu.memory_space<vmem>>[vector<16xi32>], vector<16xf32>,
    %add3A_157 = arith.constant 1 : i32
    %add3A_158 = vector.broadcast %add3A_157 : i32 to vector<16xi32>
    %add3A_159 = arith.addi %shift_left3A_145, %add3A_158 : vector<16xi32>
    tpu.vector_store_idx %arg11[%add3A_159], %gather3A_156 : memref<512xf32, #tpu.memory_space<vmem>>[vector<16xi32>], vector<16xf32>,
    %add3A_160 = arith.constant 2 : i32
    %add3A_161 = vector.broadcast %add3A_160 : i32 to vector<16xi32>
    %add3A_162 = arith.addi %shift_left3A_139, %add3A_161 : vector<16xi32>
    %gather3A_163 = tpu.vector_load_idx %arg8[%add3A_162] : memref<16384xf32, #tpu.memory_space<vmem>>[vector<16xi32>], vector<16xf32>,
    %add3A_164 = arith.constant 2 : i32
    %add3A_165 = vector.broadcast %add3A_164 : i32 to vector<16xi32>
    %add3A_166 = arith.addi %shift_left3A_145, %add3A_165 : vector<16xi32>
    tpu.vector_store_idx %arg11[%add3A_166], %gather3A_163 : memref<512xf32, #tpu.memory_space<vmem>>[vector<16xi32>], vector<16xf32>,
    %add3A_167 = arith.constant 3 : i32
    %add3A_168 = vector.broadcast %add3A_167 : i32 to vector<16xi32>
    %add3A_169 = arith.addi %shift_left3A_139, %add3A_168 : vector<16xi32>
    %gather3A_170 = tpu.vector_load_idx %arg8[%add3A_169] : memref<16384xf32, #tpu.memory_space<vmem>>[vector<16xi32>], vector<16xf32>,
    %add3A_171 = arith.constant 3 : i32
    %add3A_172 = vector.broadcast %add3A_171 : i32 to vector<16xi32>
    %add3A_173 = arith.addi %shift_left3A_145, %add3A_172 : vector<16xi32>
    tpu.vector_store_idx %arg11[%add3A_173], %gather3A_170 : memref<512xf32, #tpu.memory_space<vmem>>[vector<16xi32>], vector<16xf32>,
    %add3A_174 = arith.constant 4 : i32
    %add3A_175 = vector.broadcast %add3A_174 : i32 to vector<16xi32>
    %add3A_176 = arith.addi %shift_left3A_139, %add3A_175 : vector<16xi32>
    %gather3A_177 = tpu.vector_load_idx %arg8[%add3A_176] : memref<16384xf32, #tpu.memory_space<vmem>>[vector<16xi32>], vector<16xf32>,
    %add3A_178 = arith.constant 4 : i32
    %add3A_179 = vector.broadcast %add3A_178 : i32 to vector<16xi32>
    %add3A_180 = arith.addi %shift_left3A_145, %add3A_179 : vector<16xi32>
    tpu.vector_store_idx %arg11[%add3A_180], %gather3A_177 : memref<512xf32, #tpu.memory_space<vmem>>[vector<16xi32>], vector<16xf32>,
    %add3A_181 = arith.constant 5 : i32
    %add3A_182 = vector.broadcast %add3A_181 : i32 to vector<16xi32>
    %add3A_183 = arith.addi %shift_left3A_139, %add3A_182 : vector<16xi32>
    %gather3A_184 = tpu.vector_load_idx %arg8[%add3A_183] : memref<16384xf32, #tpu.memory_space<vmem>>[vector<16xi32>], vector<16xf32>,
    %add3A_185 = arith.constant 5 : i32
    %add3A_186 = vector.broadcast %add3A_185 : i32 to vector<16xi32>
    %add3A_187 = arith.addi %shift_left3A_145, %add3A_186 : vector<16xi32>
    tpu.vector_store_idx %arg11[%add3A_187], %gather3A_184 : memref<512xf32, #tpu.memory_space<vmem>>[vector<16xi32>], vector<16xf32>,
    %add3A_188 = arith.constant 6 : i32
    %add3A_189 = vector.broadcast %add3A_188 : i32 to vector<16xi32>
    %add3A_190 = arith.addi %shift_left3A_139, %add3A_189 : vector<16xi32>
    %gather3A_191 = tpu.vector_load_idx %arg8[%add3A_190] : memref<16384xf32, #tpu.memory_space<vmem>>[vector<16xi32>], vector<16xf32>,
    %add3A_192 = arith.constant 6 : i32
    %add3A_193 = vector.broadcast %add3A_192 : i32 to vector<16xi32>
    %add3A_194 = arith.addi %shift_left3A_145, %add3A_193 : vector<16xi32>
    tpu.vector_store_idx %arg11[%add3A_194], %gather3A_191 : memref<512xf32, #tpu.memory_space<vmem>>[vector<16xi32>], vector<16xf32>,
    %add3A_195 = arith.constant 7 : i32
    %add3A_196 = vector.broadcast %add3A_195 : i32 to vector<16xi32>
    %add3A_197 = arith.addi %shift_left3A_139, %add3A_196 : vector<16xi32>
    %gather3A_198 = tpu.vector_load_idx %arg8[%add3A_197] : memref<16384xf32, #tpu.memory_space<vmem>>[vector<16xi32>], vector<16xf32>,
    %add3A_199 = arith.constant 7 : i32
    %add3A_200 = vector.broadcast %add3A_199 : i32 to vector<16xi32>
    %add3A_201 = arith.addi %shift_left3A_145, %add3A_200 : vector<16xi32>
    tpu.vector_store_idx %arg11[%add3A_201], %gather3A_198 : memref<512xf32, #tpu.memory_space<vmem>>[vector<16xi32>], vector<16xf32>,
    %get3A_202 = arith.constant 16 : index
    %get3A_203 = tpu.vector_load %arg9[%get3A_202] {strides = array<i32>} : memref<64xf32, #tpu.memory_space<vmem>>, vector<16xf32>,
    %broadcast_in_dim3A_204 = arith.constant 0 : i32
    %broadcast_in_dim3A_205 = vector.broadcast %broadcast_in_dim3A_204 : i32 to vector<16xi32>
    %broadcast_in_dim3A_206 = arith.constant 2048 : i32
    %broadcast_in_dim3A_207 = vector.broadcast %broadcast_in_dim3A_206 : i32 to vector<16xi32>
    %add3A_208 = arith.addi %broadcast_in_dim3A_205, %broadcast_in_dim3A_207 : vector<16xi32>
    %shift_right_logical3A_209 = arith.constant 1 : i32
    %shift_right_logical3A_210 = vector.broadcast %shift_right_logical3A_209 : i32 to vector<16xi32>
    %shift_right_logical3A_211 = arith.shrui %add3A_208, %shift_right_logical3A_210 : vector<16xi32>
    %gather3A_212 = tpu.vector_load_idx %arg7[%shift_right_logical3A_211] : memref<2048xf32, #tpu.memory_space<vmem>>[vector<16xi32>], vector<16xf32>,
    %le3A_213 = arith.cmpf ole, %gather3A_212, %get3A_203 : vector<16xf32>
    %add3A_214 = arith.constant 1 : i32
    %add3A_215 = vector.broadcast %add3A_214 : i32 to vector<16xi32>
    %add3A_216 = arith.addi %shift_right_logical3A_211, %add3A_215 : vector<16xi32>
    %select_n3A_217 = arith.select %le3A_213, %add3A_216, %broadcast_in_dim3A_205 : vector<16xi1>, vector<16xi32>
    %select_n3A_218 = arith.select %le3A_213, %broadcast_in_dim3A_207, %shift_right_logical3A_211 : vector<16xi1>, vector<16xi32>
    %add3A_219 = arith.addi %select_n3A_217, %select_n3A_218 : vector<16xi32>
    %shift_right_logical3A_220 = arith.constant 1 : i32
    %shift_right_logical3A_221 = vector.broadcast %shift_right_logical3A_220 : i32 to vector<16xi32>
    %shift_right_logical3A_222 = arith.shrui %add3A_219, %shift_right_logical3A_221 : vector<16xi32>
    %gather3A_223 = tpu.vector_load_idx %arg7[%shift_right_logical3A_222] : memref<2048xf32, #tpu.memory_space<vmem>>[vector<16xi32>], vector<16xf32>,
    %le3A_224 = arith.cmpf ole, %gather3A_223, %get3A_203 : vector<16xf32>
    %add3A_225 = arith.constant 1 : i32
    %add3A_226 = vector.broadcast %add3A_225 : i32 to vector<16xi32>
    %add3A_227 = arith.addi %shift_right_logical3A_222, %add3A_226 : vector<16xi32>
    %select_n3A_228 = arith.select %le3A_224, %add3A_227, %select_n3A_217 : vector<16xi1>, vector<16xi32>
    %select_n3A_229 = arith.select %le3A_224, %select_n3A_218, %shift_right_logical3A_222 : vector<16xi1>, vector<16xi32>
    %add3A_230 = arith.addi %select_n3A_228, %select_n3A_229 : vector<16xi32>
    %shift_right_logical3A_231 = arith.constant 1 : i32
    %shift_right_logical3A_232 = vector.broadcast %shift_right_logical3A_231 : i32 to vector<16xi32>
    %shift_right_logical3A_233 = arith.shrui %add3A_230, %shift_right_logical3A_232 : vector<16xi32>
    %gather3A_234 = tpu.vector_load_idx %arg7[%shift_right_logical3A_233] : memref<2048xf32, #tpu.memory_space<vmem>>[vector<16xi32>], vector<16xf32>,
    %le3A_235 = arith.cmpf ole, %gather3A_234, %get3A_203 : vector<16xf32>
    %add3A_236 = arith.constant 1 : i32
    %add3A_237 = vector.broadcast %add3A_236 : i32 to vector<16xi32>
    %add3A_238 = arith.addi %shift_right_logical3A_233, %add3A_237 : vector<16xi32>
    %select_n3A_239 = arith.select %le3A_235, %add3A_238, %select_n3A_228 : vector<16xi1>, vector<16xi32>
    %select_n3A_240 = arith.select %le3A_235, %select_n3A_229, %shift_right_logical3A_233 : vector<16xi1>, vector<16xi32>
    %add3A_241 = arith.addi %select_n3A_239, %select_n3A_240 : vector<16xi32>
    %shift_right_logical3A_242 = arith.constant 1 : i32
    %shift_right_logical3A_243 = vector.broadcast %shift_right_logical3A_242 : i32 to vector<16xi32>
    %shift_right_logical3A_244 = arith.shrui %add3A_241, %shift_right_logical3A_243 : vector<16xi32>
    %gather3A_245 = tpu.vector_load_idx %arg7[%shift_right_logical3A_244] : memref<2048xf32, #tpu.memory_space<vmem>>[vector<16xi32>], vector<16xf32>,
    %le3A_246 = arith.cmpf ole, %gather3A_245, %get3A_203 : vector<16xf32>
    %add3A_247 = arith.constant 1 : i32
    %add3A_248 = vector.broadcast %add3A_247 : i32 to vector<16xi32>
    %add3A_249 = arith.addi %shift_right_logical3A_244, %add3A_248 : vector<16xi32>
    %select_n3A_250 = arith.select %le3A_246, %add3A_249, %select_n3A_239 : vector<16xi1>, vector<16xi32>
    %select_n3A_251 = arith.select %le3A_246, %select_n3A_240, %shift_right_logical3A_244 : vector<16xi1>, vector<16xi32>
    %add3A_252 = arith.addi %select_n3A_250, %select_n3A_251 : vector<16xi32>
    %shift_right_logical3A_253 = arith.constant 1 : i32
    %shift_right_logical3A_254 = vector.broadcast %shift_right_logical3A_253 : i32 to vector<16xi32>
    %shift_right_logical3A_255 = arith.shrui %add3A_252, %shift_right_logical3A_254 : vector<16xi32>
    %gather3A_256 = tpu.vector_load_idx %arg7[%shift_right_logical3A_255] : memref<2048xf32, #tpu.memory_space<vmem>>[vector<16xi32>], vector<16xf32>,
    %le3A_257 = arith.cmpf ole, %gather3A_256, %get3A_203 : vector<16xf32>
    %add3A_258 = arith.constant 1 : i32
    %add3A_259 = vector.broadcast %add3A_258 : i32 to vector<16xi32>
    %add3A_260 = arith.addi %shift_right_logical3A_255, %add3A_259 : vector<16xi32>
    %select_n3A_261 = arith.select %le3A_257, %add3A_260, %select_n3A_250 : vector<16xi1>, vector<16xi32>
    %select_n3A_262 = arith.select %le3A_257, %select_n3A_251, %shift_right_logical3A_255 : vector<16xi1>, vector<16xi32>
    %add3A_263 = arith.addi %select_n3A_261, %select_n3A_262 : vector<16xi32>
    %shift_right_logical3A_264 = arith.constant 1 : i32
    %shift_right_logical3A_265 = vector.broadcast %shift_right_logical3A_264 : i32 to vector<16xi32>
    %shift_right_logical3A_266 = arith.shrui %add3A_263, %shift_right_logical3A_265 : vector<16xi32>
    %gather3A_267 = tpu.vector_load_idx %arg7[%shift_right_logical3A_266] : memref<2048xf32, #tpu.memory_space<vmem>>[vector<16xi32>], vector<16xf32>,
    %le3A_268 = arith.cmpf ole, %gather3A_267, %get3A_203 : vector<16xf32>
    %add3A_269 = arith.constant 1 : i32
    %add3A_270 = vector.broadcast %add3A_269 : i32 to vector<16xi32>
    %add3A_271 = arith.addi %shift_right_logical3A_266, %add3A_270 : vector<16xi32>
    %select_n3A_272 = arith.select %le3A_268, %add3A_271, %select_n3A_261 : vector<16xi1>, vector<16xi32>
    %select_n3A_273 = arith.select %le3A_268, %select_n3A_262, %shift_right_logical3A_266 : vector<16xi1>, vector<16xi32>
    %add3A_274 = arith.addi %select_n3A_272, %select_n3A_273 : vector<16xi32>
    %shift_right_logical3A_275 = arith.constant 1 : i32
    %shift_right_logical3A_276 = vector.broadcast %shift_right_logical3A_275 : i32 to vector<16xi32>
    %shift_right_logical3A_277 = arith.shrui %add3A_274, %shift_right_logical3A_276 : vector<16xi32>
    %gather3A_278 = tpu.vector_load_idx %arg7[%shift_right_logical3A_277] : memref<2048xf32, #tpu.memory_space<vmem>>[vector<16xi32>], vector<16xf32>,
    %le3A_279 = arith.cmpf ole, %gather3A_278, %get3A_203 : vector<16xf32>
    %add3A_280 = arith.constant 1 : i32
    %add3A_281 = vector.broadcast %add3A_280 : i32 to vector<16xi32>
    %add3A_282 = arith.addi %shift_right_logical3A_277, %add3A_281 : vector<16xi32>
    %select_n3A_283 = arith.select %le3A_279, %add3A_282, %select_n3A_272 : vector<16xi1>, vector<16xi32>
    %select_n3A_284 = arith.select %le3A_279, %select_n3A_273, %shift_right_logical3A_277 : vector<16xi1>, vector<16xi32>
    %add3A_285 = arith.addi %select_n3A_283, %select_n3A_284 : vector<16xi32>
    %shift_right_logical3A_286 = arith.constant 1 : i32
    %shift_right_logical3A_287 = vector.broadcast %shift_right_logical3A_286 : i32 to vector<16xi32>
    %shift_right_logical3A_288 = arith.shrui %add3A_285, %shift_right_logical3A_287 : vector<16xi32>
    %gather3A_289 = tpu.vector_load_idx %arg7[%shift_right_logical3A_288] : memref<2048xf32, #tpu.memory_space<vmem>>[vector<16xi32>], vector<16xf32>,
    %le3A_290 = arith.cmpf ole, %gather3A_289, %get3A_203 : vector<16xf32>
    %add3A_291 = arith.constant 1 : i32
    %add3A_292 = vector.broadcast %add3A_291 : i32 to vector<16xi32>
    %add3A_293 = arith.addi %shift_right_logical3A_288, %add3A_292 : vector<16xi32>
    %select_n3A_294 = arith.select %le3A_290, %add3A_293, %select_n3A_283 : vector<16xi1>, vector<16xi32>
    %select_n3A_295 = arith.select %le3A_290, %select_n3A_284, %shift_right_logical3A_288 : vector<16xi1>, vector<16xi32>
    %add3A_296 = arith.addi %select_n3A_294, %select_n3A_295 : vector<16xi32>
    %shift_right_logical3A_297 = arith.constant 1 : i32
    %shift_right_logical3A_298 = vector.broadcast %shift_right_logical3A_297 : i32 to vector<16xi32>
    %shift_right_logical3A_299 = arith.shrui %add3A_296, %shift_right_logical3A_298 : vector<16xi32>
    %gather3A_300 = tpu.vector_load_idx %arg7[%shift_right_logical3A_299] : memref<2048xf32, #tpu.memory_space<vmem>>[vector<16xi32>], vector<16xf32>,
    %le3A_301 = arith.cmpf ole, %gather3A_300, %get3A_203 : vector<16xf32>
    %add3A_302 = arith.constant 1 : i32
    %add3A_303 = vector.broadcast %add3A_302 : i32 to vector<16xi32>
    %add3A_304 = arith.addi %shift_right_logical3A_299, %add3A_303 : vector<16xi32>
    %select_n3A_305 = arith.select %le3A_301, %add3A_304, %select_n3A_294 : vector<16xi1>, vector<16xi32>
    %select_n3A_306 = arith.select %le3A_301, %select_n3A_295, %shift_right_logical3A_299 : vector<16xi1>, vector<16xi32>
    %add3A_307 = arith.addi %select_n3A_305, %select_n3A_306 : vector<16xi32>
    %shift_right_logical3A_308 = arith.constant 1 : i32
    %shift_right_logical3A_309 = vector.broadcast %shift_right_logical3A_308 : i32 to vector<16xi32>
    %shift_right_logical3A_310 = arith.shrui %add3A_307, %shift_right_logical3A_309 : vector<16xi32>
    %gather3A_311 = tpu.vector_load_idx %arg7[%shift_right_logical3A_310] : memref<2048xf32, #tpu.memory_space<vmem>>[vector<16xi32>], vector<16xf32>,
    %le3A_312 = arith.cmpf ole, %gather3A_311, %get3A_203 : vector<16xf32>
    %add3A_313 = arith.constant 1 : i32
    %add3A_314 = vector.broadcast %add3A_313 : i32 to vector<16xi32>
    %add3A_315 = arith.addi %shift_right_logical3A_310, %add3A_314 : vector<16xi32>
    %select_n3A_316 = arith.select %le3A_312, %add3A_315, %select_n3A_305 : vector<16xi1>, vector<16xi32>
    %select_n3A_317 = arith.select %le3A_312, %select_n3A_306, %shift_right_logical3A_310 : vector<16xi1>, vector<16xi32>
    %add3A_318 = arith.addi %select_n3A_316, %select_n3A_317 : vector<16xi32>
    %shift_right_logical3A_319 = arith.constant 1 : i32
    %shift_right_logical3A_320 = vector.broadcast %shift_right_logical3A_319 : i32 to vector<16xi32>
    %shift_right_logical3A_321 = arith.shrui %add3A_318, %shift_right_logical3A_320 : vector<16xi32>
    %gather3A_322 = tpu.vector_load_idx %arg7[%shift_right_logical3A_321] : memref<2048xf32, #tpu.memory_space<vmem>>[vector<16xi32>], vector<16xf32>,
    %le3A_323 = arith.cmpf ole, %gather3A_322, %get3A_203 : vector<16xf32>
    %add3A_324 = arith.constant 1 : i32
    %add3A_325 = vector.broadcast %add3A_324 : i32 to vector<16xi32>
    %add3A_326 = arith.addi %shift_right_logical3A_321, %add3A_325 : vector<16xi32>
    %select_n3A_327 = arith.select %le3A_323, %add3A_326, %select_n3A_316 : vector<16xi1>, vector<16xi32>
    %select_n3A_328 = arith.select %le3A_323, %select_n3A_317, %shift_right_logical3A_321 : vector<16xi1>, vector<16xi32>
    %add3A_329 = arith.addi %select_n3A_327, %select_n3A_328 : vector<16xi32>
    %shift_right_logical3A_330 = arith.constant 1 : i32
    %shift_right_logical3A_331 = vector.broadcast %shift_right_logical3A_330 : i32 to vector<16xi32>
    %shift_right_logical3A_332 = arith.shrui %add3A_329, %shift_right_logical3A_331 : vector<16xi32>
    %gather3A_333 = tpu.vector_load_idx %arg7[%shift_right_logical3A_332] : memref<2048xf32, #tpu.memory_space<vmem>>[vector<16xi32>], vector<16xf32>,
    %le3A_334 = arith.cmpf ole, %gather3A_333, %get3A_203 : vector<16xf32>
    %add3A_335 = arith.constant 1 : i32
    %add3A_336 = vector.broadcast %add3A_335 : i32 to vector<16xi32>
    %add3A_337 = arith.addi %shift_right_logical3A_332, %add3A_336 : vector<16xi32>
    %select_n3A_338 = arith.select %le3A_334, %add3A_337, %select_n3A_327 : vector<16xi1>, vector<16xi32>
    %select_n3A_339 = arith.select %le3A_334, %select_n3A_328, %shift_right_logical3A_332 : vector<16xi1>, vector<16xi32>
    %min3A_340 = arith.constant 2047 : i32
    %min3A_341 = vector.broadcast %min3A_340 : i32 to vector<16xi32>
    %min3A_342 = arith.minsi %select_n3A_338, %min3A_341 : vector<16xi32>
    %swap3A_343 = arith.constant 16 : index
    %swap3A_344 = tpu.vector_load %arg10[%swap3A_343] {strides = array<i32>} : memref<64xi32, #tpu.memory_space<vmem>>, vector<16xi32>,
    tpu.vector_store %arg10[%swap3A_343], %min3A_342 {strides = array<i32>} : memref<64xi32, #tpu.memory_space<vmem>>, vector<16xi32>,
    %shift_left3A_345 = arith.constant 3 : i32
    %shift_left3A_346 = vector.broadcast %shift_left3A_345 : i32 to vector<16xi32>
    %shift_left3A_347 = arith.shli %min3A_342, %shift_left3A_346 : vector<16xi32>
    %iota3A_348 = tpu.iota {dimensions = array<i32: 0>} : vector<16xi32>
    %add3A_349 = arith.constant 16 : i32
    %add3A_350 = vector.broadcast %add3A_349 : i32 to vector<16xi32>
    %add3A_351 = arith.addi %iota3A_348, %add3A_350 : vector<16xi32>
    %shift_left3A_352 = arith.constant 3 : i32
    %shift_left3A_353 = vector.broadcast %shift_left3A_352 : i32 to vector<16xi32>
    %shift_left3A_354 = arith.shli %add3A_351, %shift_left3A_353 : vector<16xi32>
    %add3A_355 = arith.constant 0 : i32
    %add3A_356 = vector.broadcast %add3A_355 : i32 to vector<16xi32>
    %add3A_357 = arith.addi %shift_left3A_347, %add3A_356 : vector<16xi32>
    %gather3A_358 = tpu.vector_load_idx %arg8[%add3A_357] : memref<16384xf32, #tpu.memory_space<vmem>>[vector<16xi32>], vector<16xf32>,
    %add3A_359 = arith.constant 0 : i32
    %add3A_360 = vector.broadcast %add3A_359 : i32 to vector<16xi32>
    %add3A_361 = arith.addi %shift_left3A_354, %add3A_360 : vector<16xi32>
    tpu.vector_store_idx %arg11[%add3A_361], %gather3A_358 : memref<512xf32, #tpu.memory_space<vmem>>[vector<16xi32>], vector<16xf32>,
    %add3A_362 = arith.constant 1 : i32
    %add3A_363 = vector.broadcast %add3A_362 : i32 to vector<16xi32>
    %add3A_364 = arith.addi %shift_left3A_347, %add3A_363 : vector<16xi32>
    %gather3A_365 = tpu.vector_load_idx %arg8[%add3A_364] : memref<16384xf32, #tpu.memory_space<vmem>>[vector<16xi32>], vector<16xf32>,
    %add3A_366 = arith.constant 1 : i32
    %add3A_367 = vector.broadcast %add3A_366 : i32 to vector<16xi32>
    %add3A_368 = arith.addi %shift_left3A_354, %add3A_367 : vector<16xi32>
    tpu.vector_store_idx %arg11[%add3A_368], %gather3A_365 : memref<512xf32, #tpu.memory_space<vmem>>[vector<16xi32>], vector<16xf32>,
    %add3A_369 = arith.constant 2 : i32
    %add3A_370 = vector.broadcast %add3A_369 : i32 to vector<16xi32>
    %add3A_371 = arith.addi %shift_left3A_347, %add3A_370 : vector<16xi32>
    %gather3A_372 = tpu.vector_load_idx %arg8[%add3A_371] : memref<16384xf32, #tpu.memory_space<vmem>>[vector<16xi32>], vector<16xf32>,
    %add3A_373 = arith.constant 2 : i32
    %add3A_374 = vector.broadcast %add3A_373 : i32 to vector<16xi32>
    %add3A_375 = arith.addi %shift_left3A_354, %add3A_374 : vector<16xi32>
    tpu.vector_store_idx %arg11[%add3A_375], %gather3A_372 : memref<512xf32, #tpu.memory_space<vmem>>[vector<16xi32>], vector<16xf32>,
    %add3A_376 = arith.constant 3 : i32
    %add3A_377 = vector.broadcast %add3A_376 : i32 to vector<16xi32>
    %add3A_378 = arith.addi %shift_left3A_347, %add3A_377 : vector<16xi32>
    %gather3A_379 = tpu.vector_load_idx %arg8[%add3A_378] : memref<16384xf32, #tpu.memory_space<vmem>>[vector<16xi32>], vector<16xf32>,
    %add3A_380 = arith.constant 3 : i32
    %add3A_381 = vector.broadcast %add3A_380 : i32 to vector<16xi32>
    %add3A_382 = arith.addi %shift_left3A_354, %add3A_381 : vector<16xi32>
    tpu.vector_store_idx %arg11[%add3A_382], %gather3A_379 : memref<512xf32, #tpu.memory_space<vmem>>[vector<16xi32>], vector<16xf32>,
    %add3A_383 = arith.constant 4 : i32
    %add3A_384 = vector.broadcast %add3A_383 : i32 to vector<16xi32>
    %add3A_385 = arith.addi %shift_left3A_347, %add3A_384 : vector<16xi32>
    %gather3A_386 = tpu.vector_load_idx %arg8[%add3A_385] : memref<16384xf32, #tpu.memory_space<vmem>>[vector<16xi32>], vector<16xf32>,
    %add3A_387 = arith.constant 4 : i32
    %add3A_388 = vector.broadcast %add3A_387 : i32 to vector<16xi32>
    %add3A_389 = arith.addi %shift_left3A_354, %add3A_388 : vector<16xi32>
    tpu.vector_store_idx %arg11[%add3A_389], %gather3A_386 : memref<512xf32, #tpu.memory_space<vmem>>[vector<16xi32>], vector<16xf32>,
    %add3A_390 = arith.constant 5 : i32
    %add3A_391 = vector.broadcast %add3A_390 : i32 to vector<16xi32>
    %add3A_392 = arith.addi %shift_left3A_347, %add3A_391 : vector<16xi32>
    %gather3A_393 = tpu.vector_load_idx %arg8[%add3A_392] : memref<16384xf32, #tpu.memory_space<vmem>>[vector<16xi32>], vector<16xf32>,
    %add3A_394 = arith.constant 5 : i32
    %add3A_395 = vector.broadcast %add3A_394 : i32 to vector<16xi32>
    %add3A_396 = arith.addi %shift_left3A_354, %add3A_395 : vector<16xi32>
    tpu.vector_store_idx %arg11[%add3A_396], %gather3A_393 : memref<512xf32, #tpu.memory_space<vmem>>[vector<16xi32>], vector<16xf32>,
    %add3A_397 = arith.constant 6 : i32
    %add3A_398 = vector.broadcast %add3A_397 : i32 to vector<16xi32>
    %add3A_399 = arith.addi %shift_left3A_347, %add3A_398 : vector<16xi32>
    %gather3A_400 = tpu.vector_load_idx %arg8[%add3A_399] : memref<16384xf32, #tpu.memory_space<vmem>>[vector<16xi32>], vector<16xf32>,
    %add3A_401 = arith.constant 6 : i32
    %add3A_402 = vector.broadcast %add3A_401 : i32 to vector<16xi32>
    %add3A_403 = arith.addi %shift_left3A_354, %add3A_402 : vector<16xi32>
    tpu.vector_store_idx %arg11[%add3A_403], %gather3A_400 : memref<512xf32, #tpu.memory_space<vmem>>[vector<16xi32>], vector<16xf32>,
    %add3A_404 = arith.constant 7 : i32
    %add3A_405 = vector.broadcast %add3A_404 : i32 to vector<16xi32>
    %add3A_406 = arith.addi %shift_left3A_347, %add3A_405 : vector<16xi32>
    %gather3A_407 = tpu.vector_load_idx %arg8[%add3A_406] : memref<16384xf32, #tpu.memory_space<vmem>>[vector<16xi32>], vector<16xf32>,
    %add3A_408 = arith.constant 7 : i32
    %add3A_409 = vector.broadcast %add3A_408 : i32 to vector<16xi32>
    %add3A_410 = arith.addi %shift_left3A_354, %add3A_409 : vector<16xi32>
    tpu.vector_store_idx %arg11[%add3A_410], %gather3A_407 : memref<512xf32, #tpu.memory_space<vmem>>[vector<16xi32>], vector<16xf32>,
    %get3A_411 = arith.constant 32 : index
    %get3A_412 = tpu.vector_load %arg9[%get3A_411] {strides = array<i32>} : memref<64xf32, #tpu.memory_space<vmem>>, vector<16xf32>,
    %broadcast_in_dim3A_413 = arith.constant 0 : i32
    %broadcast_in_dim3A_414 = vector.broadcast %broadcast_in_dim3A_413 : i32 to vector<16xi32>
    %broadcast_in_dim3A_415 = arith.constant 2048 : i32
    %broadcast_in_dim3A_416 = vector.broadcast %broadcast_in_dim3A_415 : i32 to vector<16xi32>
    %add3A_417 = arith.addi %broadcast_in_dim3A_414, %broadcast_in_dim3A_416 : vector<16xi32>
    %shift_right_logical3A_418 = arith.constant 1 : i32
    %shift_right_logical3A_419 = vector.broadcast %shift_right_logical3A_418 : i32 to vector<16xi32>
    %shift_right_logical3A_420 = arith.shrui %add3A_417, %shift_right_logical3A_419 : vector<16xi32>
    %gather3A_421 = tpu.vector_load_idx %arg7[%shift_right_logical3A_420] : memref<2048xf32, #tpu.memory_space<vmem>>[vector<16xi32>], vector<16xf32>,
    %le3A_422 = arith.cmpf ole, %gather3A_421, %get3A_412 : vector<16xf32>
    %add3A_423 = arith.constant 1 : i32
    %add3A_424 = vector.broadcast %add3A_423 : i32 to vector<16xi32>
    %add3A_425 = arith.addi %shift_right_logical3A_420, %add3A_424 : vector<16xi32>
    %select_n3A_426 = arith.select %le3A_422, %add3A_425, %broadcast_in_dim3A_414 : vector<16xi1>, vector<16xi32>
    %select_n3A_427 = arith.select %le3A_422, %broadcast_in_dim3A_416, %shift_right_logical3A_420 : vector<16xi1>, vector<16xi32>
    %add3A_428 = arith.addi %select_n3A_426, %select_n3A_427 : vector<16xi32>
    %shift_right_logical3A_429 = arith.constant 1 : i32
    %shift_right_logical3A_430 = vector.broadcast %shift_right_logical3A_429 : i32 to vector<16xi32>
    %shift_right_logical3A_431 = arith.shrui %add3A_428, %shift_right_logical3A_430 : vector<16xi32>
    %gather3A_432 = tpu.vector_load_idx %arg7[%shift_right_logical3A_431] : memref<2048xf32, #tpu.memory_space<vmem>>[vector<16xi32>], vector<16xf32>,
    %le3A_433 = arith.cmpf ole, %gather3A_432, %get3A_412 : vector<16xf32>
    %add3A_434 = arith.constant 1 : i32
    %add3A_435 = vector.broadcast %add3A_434 : i32 to vector<16xi32>
    %add3A_436 = arith.addi %shift_right_logical3A_431, %add3A_435 : vector<16xi32>
    %select_n3A_437 = arith.select %le3A_433, %add3A_436, %select_n3A_426 : vector<16xi1>, vector<16xi32>
    %select_n3A_438 = arith.select %le3A_433, %select_n3A_427, %shift_right_logical3A_431 : vector<16xi1>, vector<16xi32>
    %add3A_439 = arith.addi %select_n3A_437, %select_n3A_438 : vector<16xi32>
    %shift_right_logical3A_440 = arith.constant 1 : i32
    %shift_right_logical3A_441 = vector.broadcast %shift_right_logical3A_440 : i32 to vector<16xi32>
    %shift_right_logical3A_442 = arith.shrui %add3A_439, %shift_right_logical3A_441 : vector<16xi32>
    %gather3A_443 = tpu.vector_load_idx %arg7[%shift_right_logical3A_442] : memref<2048xf32, #tpu.memory_space<vmem>>[vector<16xi32>], vector<16xf32>,
    %le3A_444 = arith.cmpf ole, %gather3A_443, %get3A_412 : vector<16xf32>
    %add3A_445 = arith.constant 1 : i32
    %add3A_446 = vector.broadcast %add3A_445 : i32 to vector<16xi32>
    %add3A_447 = arith.addi %shift_right_logical3A_442, %add3A_446 : vector<16xi32>
    %select_n3A_448 = arith.select %le3A_444, %add3A_447, %select_n3A_437 : vector<16xi1>, vector<16xi32>
    %select_n3A_449 = arith.select %le3A_444, %select_n3A_438, %shift_right_logical3A_442 : vector<16xi1>, vector<16xi32>
    %add3A_450 = arith.addi %select_n3A_448, %select_n3A_449 : vector<16xi32>
    %shift_right_logical3A_451 = arith.constant 1 : i32
    %shift_right_logical3A_452 = vector.broadcast %shift_right_logical3A_451 : i32 to vector<16xi32>
    %shift_right_logical3A_453 = arith.shrui %add3A_450, %shift_right_logical3A_452 : vector<16xi32>
    %gather3A_454 = tpu.vector_load_idx %arg7[%shift_right_logical3A_453] : memref<2048xf32, #tpu.memory_space<vmem>>[vector<16xi32>], vector<16xf32>,
    %le3A_455 = arith.cmpf ole, %gather3A_454, %get3A_412 : vector<16xf32>
    %add3A_456 = arith.constant 1 : i32
    %add3A_457 = vector.broadcast %add3A_456 : i32 to vector<16xi32>
    %add3A_458 = arith.addi %shift_right_logical3A_453, %add3A_457 : vector<16xi32>
    %select_n3A_459 = arith.select %le3A_455, %add3A_458, %select_n3A_448 : vector<16xi1>, vector<16xi32>
    %select_n3A_460 = arith.select %le3A_455, %select_n3A_449, %shift_right_logical3A_453 : vector<16xi1>, vector<16xi32>
    %add3A_461 = arith.addi %select_n3A_459, %select_n3A_460 : vector<16xi32>
    %shift_right_logical3A_462 = arith.constant 1 : i32
    %shift_right_logical3A_463 = vector.broadcast %shift_right_logical3A_462 : i32 to vector<16xi32>
    %shift_right_logical3A_464 = arith.shrui %add3A_461, %shift_right_logical3A_463 : vector<16xi32>
    %gather3A_465 = tpu.vector_load_idx %arg7[%shift_right_logical3A_464] : memref<2048xf32, #tpu.memory_space<vmem>>[vector<16xi32>], vector<16xf32>,
    %le3A_466 = arith.cmpf ole, %gather3A_465, %get3A_412 : vector<16xf32>
    %add3A_467 = arith.constant 1 : i32
    %add3A_468 = vector.broadcast %add3A_467 : i32 to vector<16xi32>
    %add3A_469 = arith.addi %shift_right_logical3A_464, %add3A_468 : vector<16xi32>
    %select_n3A_470 = arith.select %le3A_466, %add3A_469, %select_n3A_459 : vector<16xi1>, vector<16xi32>
    %select_n3A_471 = arith.select %le3A_466, %select_n3A_460, %shift_right_logical3A_464 : vector<16xi1>, vector<16xi32>
    %add3A_472 = arith.addi %select_n3A_470, %select_n3A_471 : vector<16xi32>
    %shift_right_logical3A_473 = arith.constant 1 : i32
    %shift_right_logical3A_474 = vector.broadcast %shift_right_logical3A_473 : i32 to vector<16xi32>
    %shift_right_logical3A_475 = arith.shrui %add3A_472, %shift_right_logical3A_474 : vector<16xi32>
    %gather3A_476 = tpu.vector_load_idx %arg7[%shift_right_logical3A_475] : memref<2048xf32, #tpu.memory_space<vmem>>[vector<16xi32>], vector<16xf32>,
    %le3A_477 = arith.cmpf ole, %gather3A_476, %get3A_412 : vector<16xf32>
    %add3A_478 = arith.constant 1 : i32
    %add3A_479 = vector.broadcast %add3A_478 : i32 to vector<16xi32>
    %add3A_480 = arith.addi %shift_right_logical3A_475, %add3A_479 : vector<16xi32>
    %select_n3A_481 = arith.select %le3A_477, %add3A_480, %select_n3A_470 : vector<16xi1>, vector<16xi32>
    %select_n3A_482 = arith.select %le3A_477, %select_n3A_471, %shift_right_logical3A_475 : vector<16xi1>, vector<16xi32>
    %add3A_483 = arith.addi %select_n3A_481, %select_n3A_482 : vector<16xi32>
    %shift_right_logical3A_484 = arith.constant 1 : i32
    %shift_right_logical3A_485 = vector.broadcast %shift_right_logical3A_484 : i32 to vector<16xi32>
    %shift_right_logical3A_486 = arith.shrui %add3A_483, %shift_right_logical3A_485 : vector<16xi32>
    %gather3A_487 = tpu.vector_load_idx %arg7[%shift_right_logical3A_486] : memref<2048xf32, #tpu.memory_space<vmem>>[vector<16xi32>], vector<16xf32>,
    %le3A_488 = arith.cmpf ole, %gather3A_487, %get3A_412 : vector<16xf32>
    %add3A_489 = arith.constant 1 : i32
    %add3A_490 = vector.broadcast %add3A_489 : i32 to vector<16xi32>
    %add3A_491 = arith.addi %shift_right_logical3A_486, %add3A_490 : vector<16xi32>
    %select_n3A_492 = arith.select %le3A_488, %add3A_491, %select_n3A_481 : vector<16xi1>, vector<16xi32>
    %select_n3A_493 = arith.select %le3A_488, %select_n3A_482, %shift_right_logical3A_486 : vector<16xi1>, vector<16xi32>
    %add3A_494 = arith.addi %select_n3A_492, %select_n3A_493 : vector<16xi32>
    %shift_right_logical3A_495 = arith.constant 1 : i32
    %shift_right_logical3A_496 = vector.broadcast %shift_right_logical3A_495 : i32 to vector<16xi32>
    %shift_right_logical3A_497 = arith.shrui %add3A_494, %shift_right_logical3A_496 : vector<16xi32>
    %gather3A_498 = tpu.vector_load_idx %arg7[%shift_right_logical3A_497] : memref<2048xf32, #tpu.memory_space<vmem>>[vector<16xi32>], vector<16xf32>,
    %le3A_499 = arith.cmpf ole, %gather3A_498, %get3A_412 : vector<16xf32>
    %add3A_500 = arith.constant 1 : i32
    %add3A_501 = vector.broadcast %add3A_500 : i32 to vector<16xi32>
    %add3A_502 = arith.addi %shift_right_logical3A_497, %add3A_501 : vector<16xi32>
    %select_n3A_503 = arith.select %le3A_499, %add3A_502, %select_n3A_492 : vector<16xi1>, vector<16xi32>
    %select_n3A_504 = arith.select %le3A_499, %select_n3A_493, %shift_right_logical3A_497 : vector<16xi1>, vector<16xi32>
    %add3A_505 = arith.addi %select_n3A_503, %select_n3A_504 : vector<16xi32>
    %shift_right_logical3A_506 = arith.constant 1 : i32
    %shift_right_logical3A_507 = vector.broadcast %shift_right_logical3A_506 : i32 to vector<16xi32>
    %shift_right_logical3A_508 = arith.shrui %add3A_505, %shift_right_logical3A_507 : vector<16xi32>
    %gather3A_509 = tpu.vector_load_idx %arg7[%shift_right_logical3A_508] : memref<2048xf32, #tpu.memory_space<vmem>>[vector<16xi32>], vector<16xf32>,
    %le3A_510 = arith.cmpf ole, %gather3A_509, %get3A_412 : vector<16xf32>
    %add3A_511 = arith.constant 1 : i32
    %add3A_512 = vector.broadcast %add3A_511 : i32 to vector<16xi32>
    %add3A_513 = arith.addi %shift_right_logical3A_508, %add3A_512 : vector<16xi32>
    %select_n3A_514 = arith.select %le3A_510, %add3A_513, %select_n3A_503 : vector<16xi1>, vector<16xi32>
    %select_n3A_515 = arith.select %le3A_510, %select_n3A_504, %shift_right_logical3A_508 : vector<16xi1>, vector<16xi32>
    %add3A_516 = arith.addi %select_n3A_514, %select_n3A_515 : vector<16xi32>
    %shift_right_logical3A_517 = arith.constant 1 : i32
    %shift_right_logical3A_518 = vector.broadcast %shift_right_logical3A_517 : i32 to vector<16xi32>
    %shift_right_logical3A_519 = arith.shrui %add3A_516, %shift_right_logical3A_518 : vector<16xi32>
    %gather3A_520 = tpu.vector_load_idx %arg7[%shift_right_logical3A_519] : memref<2048xf32, #tpu.memory_space<vmem>>[vector<16xi32>], vector<16xf32>,
    %le3A_521 = arith.cmpf ole, %gather3A_520, %get3A_412 : vector<16xf32>
    %add3A_522 = arith.constant 1 : i32
    %add3A_523 = vector.broadcast %add3A_522 : i32 to vector<16xi32>
    %add3A_524 = arith.addi %shift_right_logical3A_519, %add3A_523 : vector<16xi32>
    %select_n3A_525 = arith.select %le3A_521, %add3A_524, %select_n3A_514 : vector<16xi1>, vector<16xi32>
    %select_n3A_526 = arith.select %le3A_521, %select_n3A_515, %shift_right_logical3A_519 : vector<16xi1>, vector<16xi32>
    %add3A_527 = arith.addi %select_n3A_525, %select_n3A_526 : vector<16xi32>
    %shift_right_logical3A_528 = arith.constant 1 : i32
    %shift_right_logical3A_529 = vector.broadcast %shift_right_logical3A_528 : i32 to vector<16xi32>
    %shift_right_logical3A_530 = arith.shrui %add3A_527, %shift_right_logical3A_529 : vector<16xi32>
    %gather3A_531 = tpu.vector_load_idx %arg7[%shift_right_logical3A_530] : memref<2048xf32, #tpu.memory_space<vmem>>[vector<16xi32>], vector<16xf32>,
    %le3A_532 = arith.cmpf ole, %gather3A_531, %get3A_412 : vector<16xf32>
    %add3A_533 = arith.constant 1 : i32
    %add3A_534 = vector.broadcast %add3A_533 : i32 to vector<16xi32>
    %add3A_535 = arith.addi %shift_right_logical3A_530, %add3A_534 : vector<16xi32>
    %select_n3A_536 = arith.select %le3A_532, %add3A_535, %select_n3A_525 : vector<16xi1>, vector<16xi32>
    %select_n3A_537 = arith.select %le3A_532, %select_n3A_526, %shift_right_logical3A_530 : vector<16xi1>, vector<16xi32>
    %add3A_538 = arith.addi %select_n3A_536, %select_n3A_537 : vector<16xi32>
    %shift_right_logical3A_539 = arith.constant 1 : i32
    %shift_right_logical3A_540 = vector.broadcast %shift_right_logical3A_539 : i32 to vector<16xi32>
    %shift_right_logical3A_541 = arith.shrui %add3A_538, %shift_right_logical3A_540 : vector<16xi32>
    %gather3A_542 = tpu.vector_load_idx %arg7[%shift_right_logical3A_541] : memref<2048xf32, #tpu.memory_space<vmem>>[vector<16xi32>], vector<16xf32>,
    %le3A_543 = arith.cmpf ole, %gather3A_542, %get3A_412 : vector<16xf32>
    %add3A_544 = arith.constant 1 : i32
    %add3A_545 = vector.broadcast %add3A_544 : i32 to vector<16xi32>
    %add3A_546 = arith.addi %shift_right_logical3A_541, %add3A_545 : vector<16xi32>
    %select_n3A_547 = arith.select %le3A_543, %add3A_546, %select_n3A_536 : vector<16xi1>, vector<16xi32>
    %select_n3A_548 = arith.select %le3A_543, %select_n3A_537, %shift_right_logical3A_541 : vector<16xi1>, vector<16xi32>
    %min3A_549 = arith.constant 2047 : i32
    %min3A_550 = vector.broadcast %min3A_549 : i32 to vector<16xi32>
    %min3A_551 = arith.minsi %select_n3A_547, %min3A_550 : vector<16xi32>
    %swap3A_552 = arith.constant 32 : index
    %swap3A_553 = tpu.vector_load %arg10[%swap3A_552] {strides = array<i32>} : memref<64xi32, #tpu.memory_space<vmem>>, vector<16xi32>,
    tpu.vector_store %arg10[%swap3A_552], %min3A_551 {strides = array<i32>} : memref<64xi32, #tpu.memory_space<vmem>>, vector<16xi32>,
    %shift_left3A_554 = arith.constant 3 : i32
    %shift_left3A_555 = vector.broadcast %shift_left3A_554 : i32 to vector<16xi32>
    %shift_left3A_556 = arith.shli %min3A_551, %shift_left3A_555 : vector<16xi32>
    %iota3A_557 = tpu.iota {dimensions = array<i32: 0>} : vector<16xi32>
    %add3A_558 = arith.constant 32 : i32
    %add3A_559 = vector.broadcast %add3A_558 : i32 to vector<16xi32>
    %add3A_560 = arith.addi %iota3A_557, %add3A_559 : vector<16xi32>
    %shift_left3A_561 = arith.constant 3 : i32
    %shift_left3A_562 = vector.broadcast %shift_left3A_561 : i32 to vector<16xi32>
    %shift_left3A_563 = arith.shli %add3A_560, %shift_left3A_562 : vector<16xi32>
    %add3A_564 = arith.constant 0 : i32
    %add3A_565 = vector.broadcast %add3A_564 : i32 to vector<16xi32>
    %add3A_566 = arith.addi %shift_left3A_556, %add3A_565 : vector<16xi32>
    %gather3A_567 = tpu.vector_load_idx %arg8[%add3A_566] : memref<16384xf32, #tpu.memory_space<vmem>>[vector<16xi32>], vector<16xf32>,
    %add3A_568 = arith.constant 0 : i32
    %add3A_569 = vector.broadcast %add3A_568 : i32 to vector<16xi32>
    %add3A_570 = arith.addi %shift_left3A_563, %add3A_569 : vector<16xi32>
    tpu.vector_store_idx %arg11[%add3A_570], %gather3A_567 : memref<512xf32, #tpu.memory_space<vmem>>[vector<16xi32>], vector<16xf32>,
    %add3A_571 = arith.constant 1 : i32
    %add3A_572 = vector.broadcast %add3A_571 : i32 to vector<16xi32>
    %add3A_573 = arith.addi %shift_left3A_556, %add3A_572 : vector<16xi32>
    %gather3A_574 = tpu.vector_load_idx %arg8[%add3A_573] : memref<16384xf32, #tpu.memory_space<vmem>>[vector<16xi32>], vector<16xf32>,
    %add3A_575 = arith.constant 1 : i32
    %add3A_576 = vector.broadcast %add3A_575 : i32 to vector<16xi32>
    %add3A_577 = arith.addi %shift_left3A_563, %add3A_576 : vector<16xi32>
    tpu.vector_store_idx %arg11[%add3A_577], %gather3A_574 : memref<512xf32, #tpu.memory_space<vmem>>[vector<16xi32>], vector<16xf32>,
    %add3A_578 = arith.constant 2 : i32
    %add3A_579 = vector.broadcast %add3A_578 : i32 to vector<16xi32>
    %add3A_580 = arith.addi %shift_left3A_556, %add3A_579 : vector<16xi32>
    %gather3A_581 = tpu.vector_load_idx %arg8[%add3A_580] : memref<16384xf32, #tpu.memory_space<vmem>>[vector<16xi32>], vector<16xf32>,
    %add3A_582 = arith.constant 2 : i32
    %add3A_583 = vector.broadcast %add3A_582 : i32 to vector<16xi32>
    %add3A_584 = arith.addi %shift_left3A_563, %add3A_583 : vector<16xi32>
    tpu.vector_store_idx %arg11[%add3A_584], %gather3A_581 : memref<512xf32, #tpu.memory_space<vmem>>[vector<16xi32>], vector<16xf32>,
    %add3A_585 = arith.constant 3 : i32
    %add3A_586 = vector.broadcast %add3A_585 : i32 to vector<16xi32>
    %add3A_587 = arith.addi %shift_left3A_556, %add3A_586 : vector<16xi32>
    %gather3A_588 = tpu.vector_load_idx %arg8[%add3A_587] : memref<16384xf32, #tpu.memory_space<vmem>>[vector<16xi32>], vector<16xf32>,
    %add3A_589 = arith.constant 3 : i32
    %add3A_590 = vector.broadcast %add3A_589 : i32 to vector<16xi32>
    %add3A_591 = arith.addi %shift_left3A_563, %add3A_590 : vector<16xi32>
    tpu.vector_store_idx %arg11[%add3A_591], %gather3A_588 : memref<512xf32, #tpu.memory_space<vmem>>[vector<16xi32>], vector<16xf32>,
    %add3A_592 = arith.constant 4 : i32
    %add3A_593 = vector.broadcast %add3A_592 : i32 to vector<16xi32>
    %add3A_594 = arith.addi %shift_left3A_556, %add3A_593 : vector<16xi32>
    %gather3A_595 = tpu.vector_load_idx %arg8[%add3A_594] : memref<16384xf32, #tpu.memory_space<vmem>>[vector<16xi32>], vector<16xf32>,
    %add3A_596 = arith.constant 4 : i32
    %add3A_597 = vector.broadcast %add3A_596 : i32 to vector<16xi32>
    %add3A_598 = arith.addi %shift_left3A_563, %add3A_597 : vector<16xi32>
    tpu.vector_store_idx %arg11[%add3A_598], %gather3A_595 : memref<512xf32, #tpu.memory_space<vmem>>[vector<16xi32>], vector<16xf32>,
    %add3A_599 = arith.constant 5 : i32
    %add3A_600 = vector.broadcast %add3A_599 : i32 to vector<16xi32>
    %add3A_601 = arith.addi %shift_left3A_556, %add3A_600 : vector<16xi32>
    %gather3A_602 = tpu.vector_load_idx %arg8[%add3A_601] : memref<16384xf32, #tpu.memory_space<vmem>>[vector<16xi32>], vector<16xf32>,
    %add3A_603 = arith.constant 5 : i32
    %add3A_604 = vector.broadcast %add3A_603 : i32 to vector<16xi32>
    %add3A_605 = arith.addi %shift_left3A_563, %add3A_604 : vector<16xi32>
    tpu.vector_store_idx %arg11[%add3A_605], %gather3A_602 : memref<512xf32, #tpu.memory_space<vmem>>[vector<16xi32>], vector<16xf32>,
    %add3A_606 = arith.constant 6 : i32
    %add3A_607 = vector.broadcast %add3A_606 : i32 to vector<16xi32>
    %add3A_608 = arith.addi %shift_left3A_556, %add3A_607 : vector<16xi32>
    %gather3A_609 = tpu.vector_load_idx %arg8[%add3A_608] : memref<16384xf32, #tpu.memory_space<vmem>>[vector<16xi32>], vector<16xf32>,
    %add3A_610 = arith.constant 6 : i32
    %add3A_611 = vector.broadcast %add3A_610 : i32 to vector<16xi32>
    %add3A_612 = arith.addi %shift_left3A_563, %add3A_611 : vector<16xi32>
    tpu.vector_store_idx %arg11[%add3A_612], %gather3A_609 : memref<512xf32, #tpu.memory_space<vmem>>[vector<16xi32>], vector<16xf32>,
    %add3A_613 = arith.constant 7 : i32
    %add3A_614 = vector.broadcast %add3A_613 : i32 to vector<16xi32>
    %add3A_615 = arith.addi %shift_left3A_556, %add3A_614 : vector<16xi32>
    %gather3A_616 = tpu.vector_load_idx %arg8[%add3A_615] : memref<16384xf32, #tpu.memory_space<vmem>>[vector<16xi32>], vector<16xf32>,
    %add3A_617 = arith.constant 7 : i32
    %add3A_618 = vector.broadcast %add3A_617 : i32 to vector<16xi32>
    %add3A_619 = arith.addi %shift_left3A_563, %add3A_618 : vector<16xi32>
    tpu.vector_store_idx %arg11[%add3A_619], %gather3A_616 : memref<512xf32, #tpu.memory_space<vmem>>[vector<16xi32>], vector<16xf32>,
    %get3A_620 = arith.constant 48 : index
    %get3A_621 = tpu.vector_load %arg9[%get3A_620] {strides = array<i32>} : memref<64xf32, #tpu.memory_space<vmem>>, vector<16xf32>,
    %broadcast_in_dim3A_622 = arith.constant 0 : i32
    %broadcast_in_dim3A_623 = vector.broadcast %broadcast_in_dim3A_622 : i32 to vector<16xi32>
    %broadcast_in_dim3A_624 = arith.constant 2048 : i32
    %broadcast_in_dim3A_625 = vector.broadcast %broadcast_in_dim3A_624 : i32 to vector<16xi32>
    %add3A_626 = arith.addi %broadcast_in_dim3A_623, %broadcast_in_dim3A_625 : vector<16xi32>
    %shift_right_logical3A_627 = arith.constant 1 : i32
    %shift_right_logical3A_628 = vector.broadcast %shift_right_logical3A_627 : i32 to vector<16xi32>
    %shift_right_logical3A_629 = arith.shrui %add3A_626, %shift_right_logical3A_628 : vector<16xi32>
    %gather3A_630 = tpu.vector_load_idx %arg7[%shift_right_logical3A_629] : memref<2048xf32, #tpu.memory_space<vmem>>[vector<16xi32>], vector<16xf32>,
    %le3A_631 = arith.cmpf ole, %gather3A_630, %get3A_621 : vector<16xf32>
    %add3A_632 = arith.constant 1 : i32
    %add3A_633 = vector.broadcast %add3A_632 : i32 to vector<16xi32>
    %add3A_634 = arith.addi %shift_right_logical3A_629, %add3A_633 : vector<16xi32>
    %select_n3A_635 = arith.select %le3A_631, %add3A_634, %broadcast_in_dim3A_623 : vector<16xi1>, vector<16xi32>
    %select_n3A_636 = arith.select %le3A_631, %broadcast_in_dim3A_625, %shift_right_logical3A_629 : vector<16xi1>, vector<16xi32>
    %add3A_637 = arith.addi %select_n3A_635, %select_n3A_636 : vector<16xi32>
    %shift_right_logical3A_638 = arith.constant 1 : i32
    %shift_right_logical3A_639 = vector.broadcast %shift_right_logical3A_638 : i32 to vector<16xi32>
    %shift_right_logical3A_640 = arith.shrui %add3A_637, %shift_right_logical3A_639 : vector<16xi32>
    %gather3A_641 = tpu.vector_load_idx %arg7[%shift_right_logical3A_640] : memref<2048xf32, #tpu.memory_space<vmem>>[vector<16xi32>], vector<16xf32>,
    %le3A_642 = arith.cmpf ole, %gather3A_641, %get3A_621 : vector<16xf32>
    %add3A_643 = arith.constant 1 : i32
    %add3A_644 = vector.broadcast %add3A_643 : i32 to vector<16xi32>
    %add3A_645 = arith.addi %shift_right_logical3A_640, %add3A_644 : vector<16xi32>
    %select_n3A_646 = arith.select %le3A_642, %add3A_645, %select_n3A_635 : vector<16xi1>, vector<16xi32>
    %select_n3A_647 = arith.select %le3A_642, %select_n3A_636, %shift_right_logical3A_640 : vector<16xi1>, vector<16xi32>
    %add3A_648 = arith.addi %select_n3A_646, %select_n3A_647 : vector<16xi32>
    %shift_right_logical3A_649 = arith.constant 1 : i32
    %shift_right_logical3A_650 = vector.broadcast %shift_right_logical3A_649 : i32 to vector<16xi32>
    %shift_right_logical3A_651 = arith.shrui %add3A_648, %shift_right_logical3A_650 : vector<16xi32>
    %gather3A_652 = tpu.vector_load_idx %arg7[%shift_right_logical3A_651] : memref<2048xf32, #tpu.memory_space<vmem>>[vector<16xi32>], vector<16xf32>,
    %le3A_653 = arith.cmpf ole, %gather3A_652, %get3A_621 : vector<16xf32>
    %add3A_654 = arith.constant 1 : i32
    %add3A_655 = vector.broadcast %add3A_654 : i32 to vector<16xi32>
    %add3A_656 = arith.addi %shift_right_logical3A_651, %add3A_655 : vector<16xi32>
    %select_n3A_657 = arith.select %le3A_653, %add3A_656, %select_n3A_646 : vector<16xi1>, vector<16xi32>
    %select_n3A_658 = arith.select %le3A_653, %select_n3A_647, %shift_right_logical3A_651 : vector<16xi1>, vector<16xi32>
    %add3A_659 = arith.addi %select_n3A_657, %select_n3A_658 : vector<16xi32>
    %shift_right_logical3A_660 = arith.constant 1 : i32
    %shift_right_logical3A_661 = vector.broadcast %shift_right_logical3A_660 : i32 to vector<16xi32>
    %shift_right_logical3A_662 = arith.shrui %add3A_659, %shift_right_logical3A_661 : vector<16xi32>
    %gather3A_663 = tpu.vector_load_idx %arg7[%shift_right_logical3A_662] : memref<2048xf32, #tpu.memory_space<vmem>>[vector<16xi32>], vector<16xf32>,
    %le3A_664 = arith.cmpf ole, %gather3A_663, %get3A_621 : vector<16xf32>
    %add3A_665 = arith.constant 1 : i32
    %add3A_666 = vector.broadcast %add3A_665 : i32 to vector<16xi32>
    %add3A_667 = arith.addi %shift_right_logical3A_662, %add3A_666 : vector<16xi32>
    %select_n3A_668 = arith.select %le3A_664, %add3A_667, %select_n3A_657 : vector<16xi1>, vector<16xi32>
    %select_n3A_669 = arith.select %le3A_664, %select_n3A_658, %shift_right_logical3A_662 : vector<16xi1>, vector<16xi32>
    %add3A_670 = arith.addi %select_n3A_668, %select_n3A_669 : vector<16xi32>
    %shift_right_logical3A_671 = arith.constant 1 : i32
    %shift_right_logical3A_672 = vector.broadcast %shift_right_logical3A_671 : i32 to vector<16xi32>
    %shift_right_logical3A_673 = arith.shrui %add3A_670, %shift_right_logical3A_672 : vector<16xi32>
    %gather3A_674 = tpu.vector_load_idx %arg7[%shift_right_logical3A_673] : memref<2048xf32, #tpu.memory_space<vmem>>[vector<16xi32>], vector<16xf32>,
    %le3A_675 = arith.cmpf ole, %gather3A_674, %get3A_621 : vector<16xf32>
    %add3A_676 = arith.constant 1 : i32
    %add3A_677 = vector.broadcast %add3A_676 : i32 to vector<16xi32>
    %add3A_678 = arith.addi %shift_right_logical3A_673, %add3A_677 : vector<16xi32>
    %select_n3A_679 = arith.select %le3A_675, %add3A_678, %select_n3A_668 : vector<16xi1>, vector<16xi32>
    %select_n3A_680 = arith.select %le3A_675, %select_n3A_669, %shift_right_logical3A_673 : vector<16xi1>, vector<16xi32>
    %add3A_681 = arith.addi %select_n3A_679, %select_n3A_680 : vector<16xi32>
    %shift_right_logical3A_682 = arith.constant 1 : i32
    %shift_right_logical3A_683 = vector.broadcast %shift_right_logical3A_682 : i32 to vector<16xi32>
    %shift_right_logical3A_684 = arith.shrui %add3A_681, %shift_right_logical3A_683 : vector<16xi32>
    %gather3A_685 = tpu.vector_load_idx %arg7[%shift_right_logical3A_684] : memref<2048xf32, #tpu.memory_space<vmem>>[vector<16xi32>], vector<16xf32>,
    %le3A_686 = arith.cmpf ole, %gather3A_685, %get3A_621 : vector<16xf32>
    %add3A_687 = arith.constant 1 : i32
    %add3A_688 = vector.broadcast %add3A_687 : i32 to vector<16xi32>
    %add3A_689 = arith.addi %shift_right_logical3A_684, %add3A_688 : vector<16xi32>
    %select_n3A_690 = arith.select %le3A_686, %add3A_689, %select_n3A_679 : vector<16xi1>, vector<16xi32>
    %select_n3A_691 = arith.select %le3A_686, %select_n3A_680, %shift_right_logical3A_684 : vector<16xi1>, vector<16xi32>
    %add3A_692 = arith.addi %select_n3A_690, %select_n3A_691 : vector<16xi32>
    %shift_right_logical3A_693 = arith.constant 1 : i32
    %shift_right_logical3A_694 = vector.broadcast %shift_right_logical3A_693 : i32 to vector<16xi32>
    %shift_right_logical3A_695 = arith.shrui %add3A_692, %shift_right_logical3A_694 : vector<16xi32>
    %gather3A_696 = tpu.vector_load_idx %arg7[%shift_right_logical3A_695] : memref<2048xf32, #tpu.memory_space<vmem>>[vector<16xi32>], vector<16xf32>,
    %le3A_697 = arith.cmpf ole, %gather3A_696, %get3A_621 : vector<16xf32>
    %add3A_698 = arith.constant 1 : i32
    %add3A_699 = vector.broadcast %add3A_698 : i32 to vector<16xi32>
    %add3A_700 = arith.addi %shift_right_logical3A_695, %add3A_699 : vector<16xi32>
    %select_n3A_701 = arith.select %le3A_697, %add3A_700, %select_n3A_690 : vector<16xi1>, vector<16xi32>
    %select_n3A_702 = arith.select %le3A_697, %select_n3A_691, %shift_right_logical3A_695 : vector<16xi1>, vector<16xi32>
    %add3A_703 = arith.addi %select_n3A_701, %select_n3A_702 : vector<16xi32>
    %shift_right_logical3A_704 = arith.constant 1 : i32
    %shift_right_logical3A_705 = vector.broadcast %shift_right_logical3A_704 : i32 to vector<16xi32>
    %shift_right_logical3A_706 = arith.shrui %add3A_703, %shift_right_logical3A_705 : vector<16xi32>
    %gather3A_707 = tpu.vector_load_idx %arg7[%shift_right_logical3A_706] : memref<2048xf32, #tpu.memory_space<vmem>>[vector<16xi32>], vector<16xf32>,
    %le3A_708 = arith.cmpf ole, %gather3A_707, %get3A_621 : vector<16xf32>
    %add3A_709 = arith.constant 1 : i32
    %add3A_710 = vector.broadcast %add3A_709 : i32 to vector<16xi32>
    %add3A_711 = arith.addi %shift_right_logical3A_706, %add3A_710 : vector<16xi32>
    %select_n3A_712 = arith.select %le3A_708, %add3A_711, %select_n3A_701 : vector<16xi1>, vector<16xi32>
    %select_n3A_713 = arith.select %le3A_708, %select_n3A_702, %shift_right_logical3A_706 : vector<16xi1>, vector<16xi32>
    %add3A_714 = arith.addi %select_n3A_712, %select_n3A_713 : vector<16xi32>
    %shift_right_logical3A_715 = arith.constant 1 : i32
    %shift_right_logical3A_716 = vector.broadcast %shift_right_logical3A_715 : i32 to vector<16xi32>
    %shift_right_logical3A_717 = arith.shrui %add3A_714, %shift_right_logical3A_716 : vector<16xi32>
    %gather3A_718 = tpu.vector_load_idx %arg7[%shift_right_logical3A_717] : memref<2048xf32, #tpu.memory_space<vmem>>[vector<16xi32>], vector<16xf32>,
    %le3A_719 = arith.cmpf ole, %gather3A_718, %get3A_621 : vector<16xf32>
    %add3A_720 = arith.constant 1 : i32
    %add3A_721 = vector.broadcast %add3A_720 : i32 to vector<16xi32>
    %add3A_722 = arith.addi %shift_right_logical3A_717, %add3A_721 : vector<16xi32>
    %select_n3A_723 = arith.select %le3A_719, %add3A_722, %select_n3A_712 : vector<16xi1>, vector<16xi32>
    %select_n3A_724 = arith.select %le3A_719, %select_n3A_713, %shift_right_logical3A_717 : vector<16xi1>, vector<16xi32>
    %add3A_725 = arith.addi %select_n3A_723, %select_n3A_724 : vector<16xi32>
    %shift_right_logical3A_726 = arith.constant 1 : i32
    %shift_right_logical3A_727 = vector.broadcast %shift_right_logical3A_726 : i32 to vector<16xi32>
    %shift_right_logical3A_728 = arith.shrui %add3A_725, %shift_right_logical3A_727 : vector<16xi32>
    %gather3A_729 = tpu.vector_load_idx %arg7[%shift_right_logical3A_728] : memref<2048xf32, #tpu.memory_space<vmem>>[vector<16xi32>], vector<16xf32>,
    %le3A_730 = arith.cmpf ole, %gather3A_729, %get3A_621 : vector<16xf32>
    %add3A_731 = arith.constant 1 : i32
    %add3A_732 = vector.broadcast %add3A_731 : i32 to vector<16xi32>
    %add3A_733 = arith.addi %shift_right_logical3A_728, %add3A_732 : vector<16xi32>
    %select_n3A_734 = arith.select %le3A_730, %add3A_733, %select_n3A_723 : vector<16xi1>, vector<16xi32>
    %select_n3A_735 = arith.select %le3A_730, %select_n3A_724, %shift_right_logical3A_728 : vector<16xi1>, vector<16xi32>
    %add3A_736 = arith.addi %select_n3A_734, %select_n3A_735 : vector<16xi32>
    %shift_right_logical3A_737 = arith.constant 1 : i32
    %shift_right_logical3A_738 = vector.broadcast %shift_right_logical3A_737 : i32 to vector<16xi32>
    %shift_right_logical3A_739 = arith.shrui %add3A_736, %shift_right_logical3A_738 : vector<16xi32>
    %gather3A_740 = tpu.vector_load_idx %arg7[%shift_right_logical3A_739] : memref<2048xf32, #tpu.memory_space<vmem>>[vector<16xi32>], vector<16xf32>,
    %le3A_741 = arith.cmpf ole, %gather3A_740, %get3A_621 : vector<16xf32>
    %add3A_742 = arith.constant 1 : i32
    %add3A_743 = vector.broadcast %add3A_742 : i32 to vector<16xi32>
    %add3A_744 = arith.addi %shift_right_logical3A_739, %add3A_743 : vector<16xi32>
    %select_n3A_745 = arith.select %le3A_741, %add3A_744, %select_n3A_734 : vector<16xi1>, vector<16xi32>
    %select_n3A_746 = arith.select %le3A_741, %select_n3A_735, %shift_right_logical3A_739 : vector<16xi1>, vector<16xi32>
    %add3A_747 = arith.addi %select_n3A_745, %select_n3A_746 : vector<16xi32>
    %shift_right_logical3A_748 = arith.constant 1 : i32
    %shift_right_logical3A_749 = vector.broadcast %shift_right_logical3A_748 : i32 to vector<16xi32>
    %shift_right_logical3A_750 = arith.shrui %add3A_747, %shift_right_logical3A_749 : vector<16xi32>
    %gather3A_751 = tpu.vector_load_idx %arg7[%shift_right_logical3A_750] : memref<2048xf32, #tpu.memory_space<vmem>>[vector<16xi32>], vector<16xf32>,
    %le3A_752 = arith.cmpf ole, %gather3A_751, %get3A_621 : vector<16xf32>
    %add3A_753 = arith.constant 1 : i32
    %add3A_754 = vector.broadcast %add3A_753 : i32 to vector<16xi32>
    %add3A_755 = arith.addi %shift_right_logical3A_750, %add3A_754 : vector<16xi32>
    %select_n3A_756 = arith.select %le3A_752, %add3A_755, %select_n3A_745 : vector<16xi1>, vector<16xi32>
    %select_n3A_757 = arith.select %le3A_752, %select_n3A_746, %shift_right_logical3A_750 : vector<16xi1>, vector<16xi32>
    %min3A_758 = arith.constant 2047 : i32
    %min3A_759 = vector.broadcast %min3A_758 : i32 to vector<16xi32>
    %min3A_760 = arith.minsi %select_n3A_756, %min3A_759 : vector<16xi32>
    %swap3A_761 = arith.constant 48 : index
    %swap3A_762 = tpu.vector_load %arg10[%swap3A_761] {strides = array<i32>} : memref<64xi32, #tpu.memory_space<vmem>>, vector<16xi32>,
    tpu.vector_store %arg10[%swap3A_761], %min3A_760 {strides = array<i32>} : memref<64xi32, #tpu.memory_space<vmem>>, vector<16xi32>,
    %shift_left3A_763 = arith.constant 3 : i32
    %shift_left3A_764 = vector.broadcast %shift_left3A_763 : i32 to vector<16xi32>
    %shift_left3A_765 = arith.shli %min3A_760, %shift_left3A_764 : vector<16xi32>
    %iota3A_766 = tpu.iota {dimensions = array<i32: 0>} : vector<16xi32>
    %add3A_767 = arith.constant 48 : i32
    %add3A_768 = vector.broadcast %add3A_767 : i32 to vector<16xi32>
    %add3A_769 = arith.addi %iota3A_766, %add3A_768 : vector<16xi32>
    %shift_left3A_770 = arith.constant 3 : i32
    %shift_left3A_771 = vector.broadcast %shift_left3A_770 : i32 to vector<16xi32>
    %shift_left3A_772 = arith.shli %add3A_769, %shift_left3A_771 : vector<16xi32>
    %add3A_773 = arith.constant 0 : i32
    %add3A_774 = vector.broadcast %add3A_773 : i32 to vector<16xi32>
    %add3A_775 = arith.addi %shift_left3A_765, %add3A_774 : vector<16xi32>
    %gather3A_776 = tpu.vector_load_idx %arg8[%add3A_775] : memref<16384xf32, #tpu.memory_space<vmem>>[vector<16xi32>], vector<16xf32>,
    %add3A_777 = arith.constant 0 : i32
    %add3A_778 = vector.broadcast %add3A_777 : i32 to vector<16xi32>
    %add3A_779 = arith.addi %shift_left3A_772, %add3A_778 : vector<16xi32>
    tpu.vector_store_idx %arg11[%add3A_779], %gather3A_776 : memref<512xf32, #tpu.memory_space<vmem>>[vector<16xi32>], vector<16xf32>,
    %add3A_780 = arith.constant 1 : i32
    %add3A_781 = vector.broadcast %add3A_780 : i32 to vector<16xi32>
    %add3A_782 = arith.addi %shift_left3A_765, %add3A_781 : vector<16xi32>
    %gather3A_783 = tpu.vector_load_idx %arg8[%add3A_782] : memref<16384xf32, #tpu.memory_space<vmem>>[vector<16xi32>], vector<16xf32>,
    %add3A_784 = arith.constant 1 : i32
    %add3A_785 = vector.broadcast %add3A_784 : i32 to vector<16xi32>
    %add3A_786 = arith.addi %shift_left3A_772, %add3A_785 : vector<16xi32>
    tpu.vector_store_idx %arg11[%add3A_786], %gather3A_783 : memref<512xf32, #tpu.memory_space<vmem>>[vector<16xi32>], vector<16xf32>,
    %add3A_787 = arith.constant 2 : i32
    %add3A_788 = vector.broadcast %add3A_787 : i32 to vector<16xi32>
    %add3A_789 = arith.addi %shift_left3A_765, %add3A_788 : vector<16xi32>
    %gather3A_790 = tpu.vector_load_idx %arg8[%add3A_789] : memref<16384xf32, #tpu.memory_space<vmem>>[vector<16xi32>], vector<16xf32>,
    %add3A_791 = arith.constant 2 : i32
    %add3A_792 = vector.broadcast %add3A_791 : i32 to vector<16xi32>
    %add3A_793 = arith.addi %shift_left3A_772, %add3A_792 : vector<16xi32>
    tpu.vector_store_idx %arg11[%add3A_793], %gather3A_790 : memref<512xf32, #tpu.memory_space<vmem>>[vector<16xi32>], vector<16xf32>,
    %add3A_794 = arith.constant 3 : i32
    %add3A_795 = vector.broadcast %add3A_794 : i32 to vector<16xi32>
    %add3A_796 = arith.addi %shift_left3A_765, %add3A_795 : vector<16xi32>
    %gather3A_797 = tpu.vector_load_idx %arg8[%add3A_796] : memref<16384xf32, #tpu.memory_space<vmem>>[vector<16xi32>], vector<16xf32>,
    %add3A_798 = arith.constant 3 : i32
    %add3A_799 = vector.broadcast %add3A_798 : i32 to vector<16xi32>
    %add3A_800 = arith.addi %shift_left3A_772, %add3A_799 : vector<16xi32>
    tpu.vector_store_idx %arg11[%add3A_800], %gather3A_797 : memref<512xf32, #tpu.memory_space<vmem>>[vector<16xi32>], vector<16xf32>,
    %add3A_801 = arith.constant 4 : i32
    %add3A_802 = vector.broadcast %add3A_801 : i32 to vector<16xi32>
    %add3A_803 = arith.addi %shift_left3A_765, %add3A_802 : vector<16xi32>
    %gather3A_804 = tpu.vector_load_idx %arg8[%add3A_803] : memref<16384xf32, #tpu.memory_space<vmem>>[vector<16xi32>], vector<16xf32>,
    %add3A_805 = arith.constant 4 : i32
    %add3A_806 = vector.broadcast %add3A_805 : i32 to vector<16xi32>
    %add3A_807 = arith.addi %shift_left3A_772, %add3A_806 : vector<16xi32>
    tpu.vector_store_idx %arg11[%add3A_807], %gather3A_804 : memref<512xf32, #tpu.memory_space<vmem>>[vector<16xi32>], vector<16xf32>,
    %add3A_808 = arith.constant 5 : i32
    %add3A_809 = vector.broadcast %add3A_808 : i32 to vector<16xi32>
    %add3A_810 = arith.addi %shift_left3A_765, %add3A_809 : vector<16xi32>
    %gather3A_811 = tpu.vector_load_idx %arg8[%add3A_810] : memref<16384xf32, #tpu.memory_space<vmem>>[vector<16xi32>], vector<16xf32>,
    %add3A_812 = arith.constant 5 : i32
    %add3A_813 = vector.broadcast %add3A_812 : i32 to vector<16xi32>
    %add3A_814 = arith.addi %shift_left3A_772, %add3A_813 : vector<16xi32>
    tpu.vector_store_idx %arg11[%add3A_814], %gather3A_811 : memref<512xf32, #tpu.memory_space<vmem>>[vector<16xi32>], vector<16xf32>,
    %add3A_815 = arith.constant 6 : i32
    %add3A_816 = vector.broadcast %add3A_815 : i32 to vector<16xi32>
    %add3A_817 = arith.addi %shift_left3A_765, %add3A_816 : vector<16xi32>
    %gather3A_818 = tpu.vector_load_idx %arg8[%add3A_817] : memref<16384xf32, #tpu.memory_space<vmem>>[vector<16xi32>], vector<16xf32>,
    %add3A_819 = arith.constant 6 : i32
    %add3A_820 = vector.broadcast %add3A_819 : i32 to vector<16xi32>
    %add3A_821 = arith.addi %shift_left3A_772, %add3A_820 : vector<16xi32>
    tpu.vector_store_idx %arg11[%add3A_821], %gather3A_818 : memref<512xf32, #tpu.memory_space<vmem>>[vector<16xi32>], vector<16xf32>,
    %add3A_822 = arith.constant 7 : i32
    %add3A_823 = vector.broadcast %add3A_822 : i32 to vector<16xi32>
    %add3A_824 = arith.addi %shift_left3A_765, %add3A_823 : vector<16xi32>
    %gather3A_825 = tpu.vector_load_idx %arg8[%add3A_824] : memref<16384xf32, #tpu.memory_space<vmem>>[vector<16xi32>], vector<16xf32>,
    %add3A_826 = arith.constant 7 : i32
    %add3A_827 = vector.broadcast %add3A_826 : i32 to vector<16xi32>
    %add3A_828 = arith.addi %shift_left3A_772, %add3A_827 : vector<16xi32>
    tpu.vector_store_idx %arg11[%add3A_828], %gather3A_825 : memref<512xf32, #tpu.memory_space<vmem>>[vector<16xi32>], vector<16xf32>,
    "tpu.region"() ({
      %run_scoped3A = tpu.sem_alloc : memref<!tpu.dma_semaphore, #tpu.memory_space<semaphore_mem>>
      %dma_start3A = tpu.memref_slice %arg6[%mul3A_2] : memref<2048xi32, #tpu.memory_space<hbm>> -> memref<64xi32, #tpu.memory_space<hbm>>
      %dma_start3A_831 = tpu.memref_slice %arg6[%mul3A_2] : memref<2048xi32, #tpu.memory_space<hbm>> -> memref<64xi32, #tpu.memory_space<hbm>>
      tpu.enqueue_dma source(%arg10 : memref<64xi32, #tpu.memory_space<vmem>>) target(%dma_start3A_831 : memref<64xi32, #tpu.memory_space<hbm>>) target_semaphore(%run_scoped3A : memref<!tpu.dma_semaphore, #tpu.memory_space<semaphore_mem>>)
      %dma_wait3A = tpu.memref_slice %arg6[%mul3A_2] : memref<2048xi32, #tpu.memory_space<hbm>> -> memref<64xi32, #tpu.memory_space<hbm>>
      %dma_wait3A_832 = tpu.memref_slice %arg6[%mul3A_2] : memref<2048xi32, #tpu.memory_space<hbm>> -> memref<64xi32, #tpu.memory_space<hbm>>
      tpu.wait_dma2 semaphore(%run_scoped3A : memref<!tpu.dma_semaphore, #tpu.memory_space<semaphore_mem>>) src(%arg10 : memref<64xi32, #tpu.memory_space<vmem>>) dst(%dma_wait3A_832 : memref<64xi32, #tpu.memory_space<hbm>>)
      tpu.yield
    }) : () -> ()
    %mul3A_829 = arith.constant 8 : i32
    %mul3A_830 = arith.muli %mul3A_2, %mul3A_829 : i32
    "tpu.region"() ({
      %run_scoped3A = tpu.sem_alloc : memref<!tpu.dma_semaphore, #tpu.memory_space<semaphore_mem>>
      %dma_start3A = tpu.memref_slice %arg5[%mul3A_830] : memref<16384xf32, #tpu.memory_space<hbm>> -> memref<512xf32, #tpu.memory_space<hbm>>
      %dma_start3A_831 = tpu.memref_slice %arg5[%mul3A_830] : memref<16384xf32, #tpu.memory_space<hbm>> -> memref<512xf32, #tpu.memory_space<hbm>>
      tpu.enqueue_dma source(%arg11 : memref<512xf32, #tpu.memory_space<vmem>>) target(%dma_start3A_831 : memref<512xf32, #tpu.memory_space<hbm>>) target_semaphore(%run_scoped3A : memref<!tpu.dma_semaphore, #tpu.memory_space<semaphore_mem>>)
      %dma_wait3A = tpu.memref_slice %arg5[%mul3A_830] : memref<16384xf32, #tpu.memory_space<hbm>> -> memref<512xf32, #tpu.memory_space<hbm>>
      %dma_wait3A_832 = tpu.memref_slice %arg5[%mul3A_830] : memref<16384xf32, #tpu.memory_space<hbm>> -> memref<512xf32, #tpu.memory_space<hbm>>
      tpu.wait_dma2 semaphore(%run_scoped3A : memref<!tpu.dma_semaphore, #tpu.memory_space<semaphore_mem>>) src(%arg11 : memref<512xf32, #tpu.memory_space<vmem>>) dst(%dma_wait3A_832 : memref<512xf32, #tpu.memory_space<hbm>>)
      tpu.yield
    }) : () -> ()
    return
  }
}

module attributes {stable_mosaic.version = 14 : i64} {
  func.func @_sim_segment_kernel(%arg0: i32, %arg1: memref<1xi32, #tpu.memory_space<smem>>, %arg2: memref<8x2048xf32, #tpu.memory_space<vmem>>, %arg3: memref<1x32x8x2048xf32, #tpu.memory_space<vmem>>, %arg4: memref<8x1xf32, #tpu.memory_space<vmem>>, %arg5: memref<32x8x2048xf32, #tpu.memory_space<vmem>>) attributes {dimension_semantics = [#tpu.dimension_semantics<arbitrary>], iteration_bounds = array<i64: 1>, scalar_prefetch = 1 : i64, scratch_operands = 0 : i64, tpu.core_type = #tpu.core_type<tc>, window_params = [{pipeline_mode = #tpu.pipeline_mode<synchronous>, transform_indices = @transform_0, window_bounds = array<i64: 8, 2048>}, {transform_indices = @transform_1, window_bounds = array<i64: 1, 32, 8, 2048>}, {pipeline_mode = #tpu.pipeline_mode<synchronous>, transform_indices = @transform_2, window_bounds = array<i64: 8, 1>}, {pipeline_mode = #tpu.pipeline_mode<synchronous>, transform_indices = @transform_3, window_bounds = array<i64: 32, 8, 2048>}]} {
    %get3A = arith.constant 0 : index
    %get3A_0 = arith.constant 0 : index
    %get3A_1 = vector.load %arg4[%get3A, %get3A_0] : memref<8x1xf32, #tpu.memory_space<vmem>>, vector<8x1xf32>
    %get3A_2 = arith.constant 0 : index
    %get3A_3 = arith.constant 0 : index
    %get3A_4 = vector.load %arg2[%get3A_2, %get3A_3] : memref<8x2048xf32, #tpu.memory_space<vmem>>, vector<8x2048xf32>
    %scan3A = arith.constant 3.125000e-02 : f32
    %scan3A_5 = arith.constant 0 : i32
    %scan3A_6 = arith.constant 32 : i32
    %scan3A_7 = arith.addi %scan3A_5, %scan3A_6 : i32
    %scan3A_8 = arith.constant 1 : i32
    %scan3A_9 = scf.for %scan3A_11 = %scan3A_5 to %scan3A_7 step %scan3A_8 iter_args(%scan3A_12 = %get3A_4) -> (vector<8x2048xf32>)  : i32 {
      %neg3A = arith.constant 0.000000e+00 : f32
      %neg3A_13 = vector.broadcast %neg3A : f32 to vector<8x1xf32>
      %neg3A_14 = arith.subf %neg3A_13, %get3A_1 : vector<8x1xf32>
      %mul3A = vector.broadcast %neg3A_14 : vector<8x1xf32> to vector<8x2048xf32>
      %mul3A_15 = arith.mulf %mul3A, %scan3A_12 : vector<8x2048xf32>
      %mul3A_16 = vector.broadcast %scan3A : f32 to vector<8x2048xf32>
      %mul3A_17 = arith.mulf %mul3A_15, %mul3A_16 : vector<8x2048xf32>
      %add3A = arith.addf %scan3A_12, %mul3A_17 : vector<8x2048xf32>
      %get3A_18 = arith.constant 0 : index
      %get3A_19 = arith.index_cast %scan3A_11 : i32 to index
      %get3A_20 = arith.constant 0 : index
      %get3A_21 = arith.constant 0 : index
      %get3A_22 = vector.load %arg3[%get3A_18, %get3A_19, %get3A_20, %get3A_21] : memref<1x32x8x2048xf32, #tpu.memory_space<vmem>>, vector<1x1x8x2048xf32>
      %get3A_23 = vector.shape_cast %get3A_22 : vector<1x1x8x2048xf32> to vector<8x2048xf32>
      %add3A_24 = arith.addf %add3A, %get3A_23 : vector<8x2048xf32>
      %swap3A = arith.index_cast %scan3A_11 : i32 to index
      %swap3A_25 = arith.constant 0 : index
      %swap3A_26 = arith.constant 0 : index
      %swap3A_27 = vector.load %arg5[%swap3A, %swap3A_25, %swap3A_26] : memref<32x8x2048xf32, #tpu.memory_space<vmem>>, vector<1x8x2048xf32>
      %swap3A_28 = vector.shape_cast %swap3A_27 : vector<1x8x2048xf32> to vector<8x2048xf32>
      %swap3A_29 = vector.shape_cast %add3A_24 : vector<8x2048xf32> to vector<1x8x2048xf32>
      tpu.vector_store %arg5[%swap3A, %swap3A_25, %swap3A_26], %swap3A_29 {strides = array<i32>} : memref<32x8x2048xf32, #tpu.memory_space<vmem>>, vector<1x8x2048xf32>,
      scf.yield %add3A_24 : vector<8x2048xf32>
    }
    %scan3A_10 = arith.constant 32 : i32
    return
  }
  func.func @transform_0(%arg0: i32, %arg1: memref<1xi32, #tpu.memory_space<smem>>) -> (i32, i32) {
    %c0_i32 = arith.constant 0 : i32
    %c0_i32_0 = arith.constant 0 : i32
    %c0_i32_1 = arith.constant 0 : i32
    return %c0_i32, %c0_i32_0 : i32, i32
  }
  func.func @transform_1(%arg0: i32, %arg1: memref<1xi32, #tpu.memory_space<smem>>) -> (i32, i32, i32, i32) {
    %get3A = arith.constant 0 : index
    %get3A_0 = memref.load %arg1[%get3A] : memref<1xi32, #tpu.memory_space<smem>>
    %c0_i32 = arith.constant 0 : i32
    %c0_i32_1 = arith.constant 0 : i32
    %c0_i32_2 = arith.constant 0 : i32
    %c0_i32_3 = arith.constant 0 : i32
    return %get3A_0, %c0_i32, %c0_i32_1, %c0_i32_2 : i32, i32, i32, i32
  }
  func.func @transform_2(%arg0: i32, %arg1: memref<1xi32, #tpu.memory_space<smem>>) -> (i32, i32) {
    %c0_i32 = arith.constant 0 : i32
    %c0_i32_0 = arith.constant 0 : i32
    %c0_i32_1 = arith.constant 0 : i32
    return %c0_i32, %c0_i32_0 : i32, i32
  }
  func.func @transform_3(%arg0: i32, %arg1: memref<1xi32, #tpu.memory_space<smem>>) -> (i32, i32, i32) {
    %c0_i32 = arith.constant 0 : i32
    %c0_i32_0 = arith.constant 0 : i32
    %c0_i32_1 = arith.constant 0 : i32
    %c0_i32_2 = arith.constant 0 : i32
    return %c0_i32, %c0_i32_0, %c0_i32_1 : i32, i32, i32
  }
}

</mosaic_0001>

<sc_bundles>
// kernel: closed_call.43.cloned.1.call-start
scs
__scs_entry_jumppad:
0x0: {  	(pc) =	sbr.rel $0x88, $3  }
0x1: {  	(tag) =	ssettag $0x0;
	lr =	simm.s32 $0x1  }
0x2: {  	[smem:$0x3F9D] =	sst lr;
	_ =	strace $0xD0000000  }
0x3: {  	_ = 	snop  }
0x4: {  	_ = 	snop  }
0x5: {  	_ = 	snop  }
0x6: {  	_ = 	snop  }
0x7: {  	_ = 	snop  }
__scs_overlays_trampoline_lowered:
0x8: {  	[smem:$0x3FAC] =	sst s0  }
0x9: {  	[smem:$0x3FAD] =	sst s1  }
0xa: {  	[smem:$0x3FAE] =	sst s2  }
0xb: {  	[smem:$0x3FAF] =	sst s3  }
0xc: {  	[smem:$0x3FB0] =	sst s4  }
0xd: {  	[smem:$0x3FB1] =	sst s5  }
0xe: {  	[smem:$0x3FB2] =	sst s6  }
0xf: {  	[smem:$0x3FB3] =	sst s7  }
0x10: {  	[smem:$0x3FB4] =	sst s8  }
0x11: {  	[smem:$0x3FB5] =	sst s9;
	s0 =	simm.s32 @!p0 $0x0  }
0x12: {  	s1 =	sld [smem:$0x3F9B];
	s0 =	simm.s32 @p0 $0x1  }
0x13: {  	[smem:$0x3FB6] =	sst s0;
	s0 =	simm.s32 @!p1 $0x0  }
0x14: {  	s2 =	sld [smem:$0x3F9A];
	s0 =	simm.s32 @p1 $0x1  }
0x15: {  	[smem:$0x3FB7] =	sst s0;
	s0 =	simm.s32 @!p2 $0x0  }
0x16: {  	s3 =	sld [smem:$0x3FDB];
	s0 =	simm.s32 @p2 $0x1  }
0x17: {  	s4 =	simm.s32 $0x1BF5;
	[smem:$0x3FB9] =	sst s0  }
0x18: {  	s0 =	sld [smem:$0x3F9C];
	_ =	swait.ge [sflag:s4], $0x0  }
0x19: {  	s7 =	sld [smem:$0x3F9D]  }
0x1a: {  	s8 =	sadd.s32 $0xFFFFE003, lr  }
0x1b: {  	s9 =	sadd.s32 $0xFFFFFEF7, lr;
	s5 =	simm.s32 $0xFFFFFFFF;
	p2 =	slt.u32 s8, $0xFFFFF086  }
0x1c: {  	p1 =	slt.u32 s9, $0xF7A;
	s5 =	simm.s32 @!p2 $0x0  }
0x1d: {  	s5 =	simm.s32 @p1 $0x1;
	p0 =	seq.s32 s7, s2  }
0x1e: {  	s7 =	smul.u32 @!p0 $0xF7A, s2;
	p2 =	seq.s32 @!p0 s5, $0x0  }
0x1f: {  	s9 =	smul.u32 $0xF7A, s1;
	s8 =	simm.s32 @!p0 $0x1BF5;
	p2 =	por !p2, p0  }
0x20: {  	[sflag:s8] =	ssyncset.s32 @!p0 $0xFFFFF086;
	s6 =	sadd.s32 @!p0 s3, s7;
	s7 =	simm.s32 @!p0 $0x108  }
0x21: {  	s3 =	sadd.s32 s3, s9;
	s6 =	sadd.s32 @!p0 $0x88, s6;
	s7 =	simm.s32 @p2 $0x1082  }
0x22: {  	[simem:s7], [sflag:s8] =	dma.local @!p0 [hbm:s6], $0xF7A  }
0x23: {  	s9 =	sor.u32 $0xD0000000, s2;
	s6 =	simm.s32 $0x108;
	_ =	swait.ge @!p0 [sflag:s8], $0x0  }
0x24: {  	s3 =	sadd.s32 $0x88, s3;
	s6 =	simm.s32 @!p1 $0x1082;
	[sflag:s4] =	ssyncset.s32 $0xFFFFF086  }
0x25: {  	[simem:s6], [sflag:s4] =	dma.local [hbm:s3], $0xF7A  }
0x26: {  	[smem:$0x3F9D] =	sst s1;
	(tag) =	ssettag s2;
	_ =	strace s9  }
0x27: {  	s1 =	sld [smem:$0x3FAD]  }
0x28: {  	s2 =	sld [smem:$0x3FAE]  }
0x29: {  	s4 =	sld [smem:$0x3FB0]  }
0x2a: {  	p0 =	seq.s32 s5, $0x0;
	s5 =	sld [smem:$0x3FB1]  }
0x2b: {  	s6 =	sld [smem:$0x3FB2]  }
0x2c: {  	s7 =	sld [smem:$0x3FB3]  }
0x2d: {  	s3 =	simm.s32 $0x108;
	s8 =	sld [smem:$0x3FB4]  }
0x2e: {  	s3 =	simm.s32 @!p0 $0x1082;
	s9 =	sld [smem:$0x3FB5]  }
0x2f: {  	lr =	sadd.s32 s0, s3;
	s0 =	sld [smem:$0x3FAC]  }
0x30: {  	s3 =	sld [smem:$0x3FAF]  }
0x31: {  	[smem:$0x3FB8] =	sst s10  }
0x32: {  	s10 =	sld [smem:$0x3FB6];
	_ =	sdelay $0x3  }
0x33: {  	p0 =	seq.s32 s10, $0x1;
	s10 =	sld [smem:$0x3FB8];
	_ =	sdelay $0x3  }
0x34: {  	[smem:$0x3FB8] =	sst s10  }
0x35: {  	s10 =	sld [smem:$0x3FB7];
	_ =	sdelay $0x3  }
0x36: {  	p1 =	seq.s32 s10, $0x1;
	s10 =	sld [smem:$0x3FB8];
	_ =	sdelay $0x3  }
0x37: {  	[smem:$0x3FB8] =	sst s10  }
0x38: {  	s10 =	sld [smem:$0x3FB9]  }
0x39: {  	_ = 	snop;
	(pc) =	sbr.ind lr, $3  }
0x3a: {  	_ = 	snop  }
0x3b: {  	_ = 	snop  }
0x3c: {  	p2 =	seq.s32 s10, $0x1;
	s10 =	sld [smem:$0x3FB8]  }
0x3d: {  	_ =	shalt  }
0x3e: {  	_ =	shalt  }
0x3f: {  	_ =	shalt  }
0x40: {  	_ =	shalt  }
0x41: {  	_ =	shalt  }
0x42: {  	_ =	shalt  }
0x43: {  	_ =	shalt  }
0x44: {  	_ =	shalt  }
0x45: {  	_ =	shalt  }
0x46: {  	_ =	shalt  }
0x47: {  	_ =	shalt  }
0x48: {  	_ =	shalt  }
0x49: {  	_ =	shalt  }
0x4a: {  	_ =	shalt  }
0x4b: {  	_ =	shalt  }
0x4c: {  	_ =	shalt  }
0x4d: {  	_ =	shalt  }
0x4e: {  	_ =	shalt  }
0x4f: {  	_ =	shalt  }
0x50: {  	_ =	shalt  }
0x51: {  	_ =	shalt  }
0x52: {  	_ =	shalt  }
0x53: {  	_ =	shalt  }
0x54: {  	_ =	shalt  }
0x55: {  	_ =	shalt  }
0x56: {  	_ =	shalt  }
0x57: {  	_ =	shalt  }
0x58: {  	_ =	shalt  }
0x59: {  	_ =	shalt  }
0x5a: {  	_ =	shalt  }
0x5b: {  	_ =	shalt  }
0x5c: {  	_ =	shalt  }
0x5d: {  	_ =	shalt  }
0x5e: {  	_ =	shalt  }
0x5f: {  	_ =	shalt  }
0x60: {  	_ =	shalt  }
0x61: {  	_ =	shalt  }
0x62: {  	_ =	shalt  }
0x63: {  	_ =	shalt  }
0x64: {  	_ =	shalt  }
0x65: {  	_ =	shalt  }
0x66: {  	_ =	shalt  }
0x67: {  	_ =	shalt  }
0x68: {  	_ =	shalt  }
0x69: {  	_ =	shalt  }
0x6a: {  	_ =	shalt  }
0x6b: {  	_ =	shalt  }
0x6c: {  	_ =	shalt  }
0x6d: {  	_ =	shalt  }
0x6e: {  	_ =	shalt  }
0x6f: {  	_ =	shalt  }
0x70: {  	_ =	shalt  }
0x71: {  	_ =	shalt  }
0x72: {  	_ =	shalt  }
0x73: {  	_ =	shalt  }
0x74: {  	_ =	shalt  }
0x75: {  	_ =	shalt  }
0x76: {  	_ =	shalt  }
0x77: {  	_ =	shalt  }
0x78: {  	_ =	shalt  }
0x79: {  	_ =	shalt  }
0x7a: {  	_ =	shalt  }
0x7b: {  	_ =	shalt  }
0x7c: {  	_ =	shalt  }
0x7d: {  	_ =	shalt  }
0x7e: {  	_ =	shalt  }
0x7f: {  	_ =	shalt  }
0x80: {  	_ =	shalt  }
0x81: {  	_ =	shalt  }
0x82: {  	_ =	shalt  }
0x83: {  	_ =	shalt  }
0x84: {  	_ =	shalt  }
0x85: {  	_ =	shalt  }
0x86: {  	_ =	shalt  }
0x87: {  	_ =	shalt  }
.Lfunc_end0:
.L_simem_size_0:
called_computation_lowered:
.L_overlay_start_0:
0x88: {  	s2 =	sld [smem:$0x3FD9]  }
0x89: {  	s3 =	sld [smem:$0x3FFE];
	_ =	sdelay $0x1  }
0x8a: {  	s1 =	srdreg.scid  }
0x8b: {  	s0 =	sand.u32 $0x1, s1  }
0x8c: {  	s17 =	sshll.u32 s0, $0xA;
	s2 =	sadd.s32 s3, s2  }
0x8d: {  	s2 =	sadd.s32 s2, s17  }
0x8e: {  	[smem:$0x3FC4] =	sst s2  }
0x8f: {  	_ = 	snop  }
0x90: {  	s2 =	sld [smem:$0x3FD0];
	(tm) =	ssettm $0x1  }
0x91: {  	s18 =	sld [smem:$0x3FFB];
	_ =	sdelay $0x3  }
0x92: {  	_ =	strace s18  }
0x93: {  	s3 =	sld [smem:$0x3FFC];
	_ =	sdelay $0x3  }
0x94: {  	_ =	strace s3  }
0x95: {  	s3 =	sld [smem:$0x3FFD];
	_ =	sdelay $0x3  }
0x96: {  	_ =	strace s3  }
0x97: {  	_ =	strace $0x8FFFFFFF  }
0x98: {  	s19 =	sld [smem:$0x3FDB];
	_ =	sdelay $0x1  }
0x99: {  	s4 =	simm.s32 $_scs_section_size  }
0x9a: {  	s5 =	simm.s32 $_size__tile_overlayer_lowered;
	s6 =	simm.s32 $_tile_overlayer_lowered  }
0x9b: {  	s22 =	simm.s32 $0x1BFF;
	s21 =	sshll.u32 s6, $0x1;
	s3 =	sadd.s32 s4, s19  }
0x9c: {  	s7 =	simm.s32 $0x0;
	s20 =	sshll.u32 s5, $0x1;
	s5 =	sadd.s32 s21, s3  }
0x9d: {  	[timem:s7], [sflag:s22] =	dma.local [hbm:s5], s20  }
0x9e: {  	_ =	swait.ge [sflag:s22], s20  }
0x9f: {  	s4 =	ssub.s32 $0x0, s20;
	[sflag:s22] =	ssyncset.done $0x0  }
0xa0: {  	[sflag:s22] =	ssyncadd.s32 s4;
	_ =	sdelay $0x1  }
0xa1: {  	s23 =	simm.s32 $0x1B8B  }
0xa2: {  	_ =	swait.ge [sflag:s23], $0x1  }
0xa3: {  	[sflag:s23] =	ssyncset.done $0x0  }
0xa4: {  	s25 =	simm.s32 $0x1B8E;
	s24 =	sld [smem:$0x3FFE];
	[sflag:s23] =	ssyncadd.s32 $0xFFFFFFFF  }
0xa5: {  	s26 =	simm.s32 $execute0_lowered;
	[smem:$0x3FD2] =	sst s25  }
0xa6: {  	s5 =	sshll.u32 s26, $0x1;
	_ =	strace $0x80000046;
	[dreg:$0x1] =	wrdreg $0xFFFFFFFF  }
0xa7: {  	s28 =	simm.s32 $_size_execute0_lowered;
	s3 =	sadd.s32 s3, s5;
	[dreg:$0x0] =	wrdreg $0x0  }
0xa8: {  	s5 =	sshll.u32 s28, $0x1;
	[dreg:$0x2] =	wrdreg s3  }
0xa9: {  	[dreg:$0x3] =	wrdreg s5  }
0xaa: {  	[dreg:$0x4] =	wrdreg $0xC0  }
0xab: {  	_ =	task [dreg:s7], $0x5FFFF  }
0xac: {  	[dreg:$0x1] =	wrdreg $0xFFFFFFFF  }
0xad: {  	[dreg:$0x0] =	wrdreg $0x60  }
0xae: {  	[dreg:$0x2] =	wrdreg s2  }
0xaf: {  	[dreg:$0x3] =	wrdreg s24  }
0xb0: {  	[dreg:$0x4] =	wrdreg $0x9  }
0xb1: {  	_ =	task.clear_ibuf [dreg:s7], $0x5FFFF;
	_ =	strace $0x90000046  }
0xb2: {  	s29 =	simm.s32 $0x9;
	_ =	strace $0x80000048  }
0xb3: {  	_ =	swait.ge [sflag:s29], $0x1  }
0xb4: {  	[sflag:s29] =	ssyncadd.s32 $0xFFFFFFFF  }
0xb5: {  	_ =	strace $0x90000048  }
0xb6: {  	_ =	sfence  }
0xb7: {  	s30 =	sld [smem:$0x0];
	_ =	sdelay $0x2  }
0xb8: {  	s31 =	sshll.u32 s1, $0xD;
	s1 =	sshrl.u32 s1, $0x2  }
0xb9: {  	s3 =	sand.u32 $0x4000, s31;
	s1 =	sadd.s32 s1, s30  }
0xba: {  	s0 =	sor.u32 s3, s0;
	s1 =	sshll.u32 s1, $0x11  }
0xbb: {  	s0 =	sor.u32 s1, s0  }
0xbc: {  	s0 =	sadd.s32 $0x8F2B, s0  }
0xbd: {  	[sflag:s0] =	ssyncadd.remote.s32 $0x1  }
0xbe: {  	_ =	sfence.sel $0xFFFF  }
0xbf: {  	[dreg:$0x0] =	wrdreg $0xFFFFFFFF;
	(pc) =	sbr.abs _section_cstart, $3  }
0xc0: {  	[dreg:$0x1] =	wrdreg $0xFFFFFFFF  }
0xc1: {  	_ =	task.clear_ibuf [dreg:s7], $0x2FFFF;
	_ =	strace $0x9FFFFFFF  }
0xc2: {  	(tm) =	ssettm $0x7FFFFFFF  }
0xc3: {  	_ =	shalt  }
tec
execute0_lowered:
.L_overlay_start_1:
0x0: {  	(tag) =	ssettag $0x1  }
0x1: {  	v0 =	vlaneseq.u32  }
0x2: {  	v0 =	vmul.u32 $0x8, v0  }
0x3: {  	v1 =	vimm.s32 $0x400  }
0x4: {  	s6 =	rddreg [dreg:$0x0];
	v2 =	vimm.s32 $0x0;
	v3 =	vimm.s32 $0x200;
	v4 =	vor.u32 $0x1, v0  }
0x5: {  	s5 =	rddreg [dreg:$0x1];
	v5 =	vor.u32 $0x2, v0;
	v6 =	vor.u32 $0x3, v0;
	v7 =	vor.u32 $0x4, v0  }
0x6: {  	s0 =	rddreg [dreg:$0x2];
	s1 =	simm.s32 $0x0;
	s3 =	srdreg.scid;
	v8 =	vor.u32 $0x5, v0;
	v9 =	vor.u32 $0x6, v0;
	v10 =	vor.u32 $0x7, v0  }
0x7: {  	s2 =	stileid.u32;
	s12 =	simm.s32 $0x4900;
	[smem:$0x7FF] =	sst s1;
	v11 =	vor.u32 $0x80, v0;
	v12 =	vor.u32 $0x81, v0;
	v13 =	vor.u32 $0x82, v0  }
0x8: {  	s7 =	sand.u32 $0x1, s3;
	s4 =	sshll.u32 s2, $0x1;
	s3 =	sadd.s32 $0x280400, s5;
	v14 =	vor.u32 $0x83, v0;
	v15 =	vor.u32 $0x84, v0;
	v16 =	vor.u32 $0x85, v0  }
0x9: {  	s13 =	simm.s32 $0x4880;
	_ =	strace $0x80000047;
	s8 =	sor.u32 s7, s4;
	v17 =	vor.u32 $0x86, v0;
	v18 =	vor.u32 $0x87, v0;
	v19 =	vor.u32 $0x100, v0  }
0xa: {  	s4 =	sadd.s32 $0x280A00, s5;
	s7 =	ssub.s32 $0x2, s7;
	s9 =	sshll.u32 s8, $0x3;
	v20 =	vor.u32 $0x101, v0;
	v21 =	vor.u32 $0x102, v0;
	v22 =	vor.u32 $0x103, v0  }
0xb: {  	s8 =	sshll.u32 s8, $0x6;
	s11 =	sshrl.u32 s7, $0x1;
	v23 =	vor.u32 $0x104, v0;
	v24 =	vor.u32 $0x105, v0;
	v25 =	vor.u32 $0x106, v0;
	s10 =	sadd.s32 s9, s5  }
0xc: {  	v26 =	vor.u32 $0x107, v0;
	v27 =	vor.u32 $0x180, v0;
	v28 =	vor.u32 $0x181, v0;
	s8 =	sadd.s32 s8, s5;
	s31 =	ssub.s32 s7, s11;
	s6 =	sadd.s32 s6, s9  }
0xd: {  	v29 =	vor.u32 $0x182, v0;
	v30 =	vor.u32 $0x183, v0;
	v31 =	vor.u32 $0x184, v0;
	s9 =	simm.s32 $0x1;
	s11 =	simm.s32 $0x4800;
	s5 =	sadd.s32 $0x281A00, s10  }
0xe: {  	v32 =	vor.u32 $0x185, v0;
	v33 =	vor.u32 $0x186, v0;
	v34 =	vor.u32 $0x187, v0;
	s7 =	sadd.s32 $0x281200, s8;
	s8 =	smax.u32 s31, $0x1;
	s10 =	simm.s32 $0x800  }
.LBB2_1:
0xf: {  	[tilespmem:s1], [sflag:$0x1] =	stream.linear.gather [hbm4b:s3+s1], $0x800, $0x38;
	[tilespmem:$0x4B00] =	vst v63  }
0x10: {  	_ =	swait.ge [sflag:s9], $0x800  }
0x11: {  	[sflag:s9] =	ssyncset.done $0x0  }
0x12: {  	[sflag:s9] =	ssyncadd.s32 $0xFFFFF800  }
0x13: {  	[tilespmem:s10], [sflag:$0x1] =	stream.linear.gather [hbm4b:s4+s1], $0x4000, $0x38;
	[tilespmem:$0x4B00] =	vst v63  }
0x14: {  	_ =	swait.ge [sflag:s9], $0x4000  }
0x15: {  	[sflag:s9] =	ssyncset.done $0x0  }
0x16: {  	[sflag:s9] =	ssyncadd.s32 $0xFFFFC000  }
0x17: {  	[tilespmem:s11], [sflag:$0x1] =	stream.linear.gather [hbm4b:s6+s1], $0x40, $0x38;
	[tilespmem:$0x4B00] =	vst v63  }
0x18: {  	_ =	swait.ge [sflag:s9], $0x40  }
0x19: {  	[sflag:s9] =	ssyncset.done $0x0  }
0x1a: {  	[sflag:s9] =	ssyncadd.s32 $0xFFFFFFC0  }
0x1b: {  	v35 =	vld [tilespmem:$0x4800]  }
0x1c: {  	v36 =	vld.idx.msk [tilespmem:v1+s1+$0x0], $0xffff;
	_ =	sdelay $0x4  }
0x1d: {  	vm0 =	vle.f32 v36, v35  }
0x1e: {  	v36 =	vsel vm0, $0x600, v3;
	_ =	sdelay $0x4  }
0x1f: {  	v37 =	vld.idx.msk [tilespmem:v36+s1+$0x0], $0xffff;
	_ =	sdelay $0x4  }
0x20: {  	v38 =	vsel vm0, $0x800, v1;
	vm1 =	vle.f32 v37, v35  }
0x21: {  	v62 =	vsel vm0, $0x401, v2;
	v39 =	vor.u32 $0x1, v36;
	v36 =	vsel vm1, v38, v36  }
0x22: {  	v37 =	vsel vm1, v39, v62;
	v38 =	vadd.s32 $0xFFFFFFFF, v36  }
0x23: {  	v39 =	vxor.u32 v38, v37  }
0x24: {  	v38 =	vor.u32 v38, v37;
	v39 =	vshrl.u32 v39, $0x1  }
0x25: {  	v38 =	vsub.s32 v38, v39;
	_ =	sdelay $0x4  }
0x26: {  	v39 =	vld.idx.msk [tilespmem:v38+s1+$0x0], $0xffff;
	_ =	sdelay $0x4  }
0x27: {  	v63 =	vor.u32 $0x1, v38;
	vm6 =	vle.f32 v39, v35  }
0x28: {  	v37 =	vsel vm6, v63, v37;
	v36 =	vsel vm6, v36, v38  }
0x29: {  	v38 =	vxor.u32 v36, v37  }
0x2a: {  	v39 =	vand.u32 v36, v37;
	v38 =	vshrl.u32 v38, $0x1  }
0x2b: {  	v38 =	vadd.s32 v38, v39;
	_ =	sdelay $0x4  }
0x2c: {  	v39 =	vld.idx.msk [tilespmem:v38+s1+$0x0], $0xffff;
	_ =	sdelay $0x4  }
0x2d: {  	v42 =	vadd.s32 $0x1, v38;
	vm7 =	vle.f32 v39, v35  }
0x2e: {  	v37 =	vsel vm7, v42, v37;
	v36 =	vsel vm7, v36, v38  }
0x2f: {  	v38 =	vadd.s32 v36, v37  }
0x30: {  	v38 =	vshrl.u32 v38, $0x1;
	_ =	sdelay $0x4  }
0x31: {  	v43 =	vld.idx.msk [tilespmem:v38+s1+$0x0], $0xffff;
	_ =	sdelay $0x4  }
0x32: {  	v44 =	vadd.s32 $0x1, v38;
	vm8 =	vle.f32 v43, v35  }
0x33: {  	v37 =	vsel vm8, v44, v37;
	v36 =	vsel vm8, v36, v38  }
0x34: {  	v38 =	vadd.s32 v36, v37  }
0x35: {  	v38 =	vshrl.u32 v38, $0x1;
	_ =	sdelay $0x4  }
0x36: {  	v45 =	vld.idx.msk [tilespmem:v38+s1+$0x0], $0xffff;
	_ =	sdelay $0x4  }
0x37: {  	v46 =	vadd.s32 $0x1, v38;
	vm9 =	vle.f32 v45, v35  }
0x38: {  	v37 =	vsel vm9, v46, v37;
	v36 =	vsel vm9, v36, v38  }
0x39: {  	v38 =	vadd.s32 v36, v37  }
0x3a: {  	v38 =	vshrl.u32 v38, $0x1;
	_ =	sdelay $0x4  }
0x3b: {  	v47 =	vld.idx.msk [tilespmem:v38+s1+$0x0], $0xffff;
	_ =	sdelay $0x4  }
0x3c: {  	v48 =	vadd.s32 $0x1, v38;
	vm10 =	vle.f32 v47, v35  }
0x3d: {  	v37 =	vsel vm10, v48, v37;
	v36 =	vsel vm10, v36, v38  }
0x3e: {  	v38 =	vadd.s32 v36, v37  }
0x3f: {  	v38 =	vshrl.u32 v38, $0x1;
	_ =	sdelay $0x4  }
0x40: {  	v49 =	vld.idx.msk [tilespmem:v38+s1+$0x0], $0xffff;
	_ =	sdelay $0x4  }
0x41: {  	v50 =	vadd.s32 $0x1, v38;
	vm11 =	vle.f32 v49, v35  }
0x42: {  	v37 =	vsel vm11, v50, v37;
	v36 =	vsel vm11, v36, v38  }
0x43: {  	v38 =	vadd.s32 v36, v37  }
0x44: {  	v38 =	vshrl.u32 v38, $0x1;
	_ =	sdelay $0x4  }
0x45: {  	v51 =	vld.idx.msk [tilespmem:v38+s1+$0x0], $0xffff;
	_ =	sdelay $0x4  }
0x46: {  	v52 =	vadd.s32 $0x1, v38;
	vm12 =	vle.f32 v51, v35  }
0x47: {  	v37 =	vsel vm12, v52, v37;
	v36 =	vsel vm12, v36, v38  }
0x48: {  	v38 =	vadd.s32 v36, v37  }
0x49: {  	v38 =	vshrl.u32 v38, $0x1;
	_ =	sdelay $0x4  }
0x4a: {  	v53 =	vld.idx.msk [tilespmem:v38+s1+$0x0], $0xffff;
	_ =	sdelay $0x4  }
0x4b: {  	v54 =	vadd.s32 $0x1, v38;
	vm13 =	vle.f32 v53, v35  }
0x4c: {  	v37 =	vsel vm13, v54, v37;
	v36 =	vsel vm13, v36, v38  }
0x4d: {  	v38 =	vadd.s32 v36, v37  }
0x4e: {  	v38 =	vshrl.u32 v38, $0x1;
	_ =	sdelay $0x4  }
0x4f: {  	v55 =	vld.idx.msk [tilespmem:v38+s1+$0x0], $0xffff;
	_ =	sdelay $0x4  }
0x50: {  	v56 =	vadd.s32 $0x1, v38;
	vm14 =	vle.f32 v55, v35  }
0x51: {  	v37 =	vsel vm14, v56, v37;
	v36 =	vsel vm14, v36, v38  }
0x52: {  	v36 =	vadd.s32 v36, v37  }
0x53: {  	v36 =	vshrl.u32 v36, $0x1;
	_ =	sdelay $0x4  }
0x54: {  	v57 =	vld.idx.msk [tilespmem:v36+s1+$0x0], $0xffff;
	_ =	sdelay $0x4  }
0x55: {  	v58 =	vadd.s32 $0x1, v36;
	vm15 =	vle.f32 v57, v35  }
0x56: {  	v35 =	vsel vm15, v58, v37  }
0x57: {  	v35 =	vmin.u32 v35, $0x7FF  }
0x58: {  	v59 =	vshll.u32 v35, $0x3;
	_ =	sdelay $0x3  }
0x59: {  	[tilespmem:$0x4880] =	vst v35  }
0x5a: {  	v35 =	vld.idx.msk [tilespmem:v59+s10+$0x0], $0xffff  }
0x5b: {  	v60 =	vor.u32 $0x1, v59;
	_ =	sdelay $0x3  }
0x5c: {  	[tilespmem:v0+s12+$0x0] =	vst.idx.msk $0xffff, v35  }
0x5d: {  	v35 =	vld.idx.msk [tilespmem:v60+s10+$0x0], $0xffff  }
0x5e: {  	v61 =	vor.u32 $0x2, v59;
	_ =	sdelay $0x3  }
0x5f: {  	[tilespmem:v4+s12+$0x0] =	vst.idx.msk $0xffff, v35  }
0x60: {  	v35 =	vld.idx.msk [tilespmem:v61+s10+$0x0], $0xffff  }
0x61: {  	v62 =	vor.u32 $0x3, v59;
	_ =	sdelay $0x3  }
0x62: {  	[tilespmem:v5+s12+$0x0] =	vst.idx.msk $0xffff, v35  }
0x63: {  	v35 =	vld.idx.msk [tilespmem:v62+s10+$0x0], $0xffff  }
0x64: {  	v63 =	vor.u32 $0x4, v59;
	_ =	sdelay $0x3  }
0x65: {  	[tilespmem:v6+s12+$0x0] =	vst.idx.msk $0xffff, v35  }
0x66: {  	v35 =	vld.idx.msk [tilespmem:v63+s10+$0x0], $0xffff  }
0x67: {  	v40 =	vor.u32 $0x5, v59;
	_ =	sdelay $0x3  }
0x68: {  	[tilespmem:v7+s12+$0x0] =	vst.idx.msk $0xffff, v35  }
0x69: {  	v35 =	vld.idx.msk [tilespmem:v40+s10+$0x0], $0xffff  }
0x6a: {  	v41 =	vor.u32 $0x6, v59;
	_ =	sdelay $0x3  }
0x6b: {  	[tilespmem:v8+s12+$0x0] =	vst.idx.msk $0xffff, v35  }
0x6c: {  	v35 =	vld.idx.msk [tilespmem:v41+s10+$0x0], $0xffff  }
0x6d: {  	v36 =	vor.u32 $0x7, v59;
	_ =	sdelay $0x3  }
0x6e: {  	[tilespmem:v9+s12+$0x0] =	vst.idx.msk $0xffff, v35  }
0x6f: {  	v35 =	vld.idx.msk [tilespmem:v36+s10+$0x0], $0xffff;
	_ =	sdelay $0x4  }
0x70: {  	[tilespmem:v10+s12+$0x0] =	vst.idx.msk $0xffff, v35  }
0x71: {  	v35 =	vld [tilespmem:$0x4810]  }
0x72: {  	v42 =	vld.idx.msk [tilespmem:v1+s1+$0x0], $0xffff;
	_ =	sdelay $0x4  }
0x73: {  	vm4 =	vle.f32 v42, v35  }
0x74: {  	v36 =	vsel vm4, $0x600, v3;
	_ =	sdelay $0x4  }
0x75: {  	v43 =	vld.idx.msk [tilespmem:v36+s1+$0x0], $0xffff;
	_ =	sdelay $0x4  }
0x76: {  	v44 =	vsel vm4, $0x800, v1;
	vm5 =	vle.f32 v43, v35  }
0x77: {  	v45 =	vsel vm4, $0x401, v2;
	v46 =	vor.u32 $0x1, v36;
	v36 =	vsel vm5, v44, v36  }
0x78: {  	v37 =	vsel vm5, v46, v45;
	v38 =	vadd.s32 $0xFFFFFFFF, v36  }
0x79: {  	v39 =	vxor.u32 v38, v37  }
0x7a: {  	v38 =	vor.u32 v38, v37;
	v39 =	vshrl.u32 v39, $0x1  }
0x7b: {  	v38 =	vsub.s32 v38, v39;
	_ =	sdelay $0x4  }
0x7c: {  	v39 =	vld.idx.msk [tilespmem:v38+s1+$0x0], $0xffff;
	_ =	sdelay $0x4  }
0x7d: {  	v47 =	vor.u32 $0x1, v38;
	vm6 =	vle.f32 v39, v35  }
0x7e: {  	v37 =	vsel vm6, v47, v37;
	v36 =	vsel vm6, v36, v38  }
0x7f: {  	v38 =	vxor.u32 v36, v37  }
0x80: {  	v39 =	vand.u32 v36, v37;
	v38 =	vshrl.u32 v38, $0x1  }
0x81: {  	v38 =	vadd.s32 v38, v39;
	_ =	sdelay $0x4  }
0x82: {  	v39 =	vld.idx.msk [tilespmem:v38+s1+$0x0], $0xffff;
	_ =	sdelay $0x4  }
0x83: {  	v48 =	vadd.s32 $0x1, v38;
	vm7 =	vle.f32 v39, v35  }
0x84: {  	v37 =	vsel vm7, v48, v37;
	v36 =	vsel vm7, v36, v38  }
0x85: {  	v38 =	vadd.s32 v36, v37  }
0x86: {  	v38 =	vshrl.u32 v38, $0x1;
	_ =	sdelay $0x4  }
0x87: {  	v49 =	vld.idx.msk [tilespmem:v38+s1+$0x0], $0xffff;
	_ =	sdelay $0x4  }
0x88: {  	v50 =	vadd.s32 $0x1, v38;
	vm8 =	vle.f32 v49, v35  }
0x89: {  	v37 =	vsel vm8, v50, v37;
	v36 =	vsel vm8, v36, v38  }
0x8a: {  	v38 =	vadd.s32 v36, v37  }
0x8b: {  	v38 =	vshrl.u32 v38, $0x1;
	_ =	sdelay $0x4  }
0x8c: {  	v51 =	vld.idx.msk [tilespmem:v38+s1+$0x0], $0xffff;
	_ =	sdelay $0x4  }
0x8d: {  	v52 =	vadd.s32 $0x1, v38;
	vm9 =	vle.f32 v51, v35  }
0x8e: {  	v37 =	vsel vm9, v52, v37;
	v36 =	vsel vm9, v36, v38  }
0x8f: {  	v38 =	vadd.s32 v36, v37  }
0x90: {  	v38 =	vshrl.u32 v38, $0x1;
	_ =	sdelay $0x4  }
0x91: {  	v53 =	vld.idx.msk [tilespmem:v38+s1+$0x0], $0xffff;
	_ =	sdelay $0x4  }
0x92: {  	v54 =	vadd.s32 $0x1, v38;
	vm10 =	vle.f32 v53, v35  }
0x93: {  	v37 =	vsel vm10, v54, v37;
	v36 =	vsel vm10, v36, v38  }
0x94: {  	v38 =	vadd.s32 v36, v37  }
0x95: {  	v38 =	vshrl.u32 v38, $0x1;
	_ =	sdelay $0x4  }
0x96: {  	v55 =	vld.idx.msk [tilespmem:v38+s1+$0x0], $0xffff;
	_ =	sdelay $0x4  }
0x97: {  	v56 =	vadd.s32 $0x1, v38;
	vm11 =	vle.f32 v55, v35  }
0x98: {  	v37 =	vsel vm11, v56, v37;
	v36 =	vsel vm11, v36, v38  }
0x99: {  	v38 =	vadd.s32 v36, v37  }
0x9a: {  	v38 =	vshrl.u32 v38, $0x1;
	_ =	sdelay $0x4  }
0x9b: {  	v57 =	vld.idx.msk [tilespmem:v38+s1+$0x0], $0xffff;
	_ =	sdelay $0x4  }
0x9c: {  	v58 =	vadd.s32 $0x1, v38;
	vm12 =	vle.f32 v57, v35  }
0x9d: {  	v37 =	vsel vm12, v58, v37;
	v36 =	vsel vm12, v36, v38  }
0x9e: {  	v38 =	vadd.s32 v36, v37  }
0x9f: {  	v38 =	vshrl.u32 v38, $0x1;
	_ =	sdelay $0x4  }
0xa0: {  	v59 =	vld.idx.msk [tilespmem:v38+s1+$0x0], $0xffff;
	_ =	sdelay $0x4  }
0xa1: {  	v60 =	vadd.s32 $0x1, v38;
	vm13 =	vle.f32 v59, v35  }
0xa2: {  	v37 =	vsel vm13, v60, v37;
	v36 =	vsel vm13, v36, v38  }
0xa3: {  	v38 =	vadd.s32 v36, v37  }
0xa4: {  	v38 =	vshrl.u32 v38, $0x1;
	_ =	sdelay $0x4  }
0xa5: {  	v61 =	vld.idx.msk [tilespmem:v38+s1+$0x0], $0xffff;
	_ =	sdelay $0x4  }
0xa6: {  	v62 =	vadd.s32 $0x1, v38;
	vm14 =	vle.f32 v61, v35  }
0xa7: {  	v37 =	vsel vm14, v62, v37;
	v36 =	vsel vm14, v36, v38  }
0xa8: {  	v36 =	vadd.s32 v36, v37  }
0xa9: {  	v36 =	vshrl.u32 v36, $0x1;
	_ =	sdelay $0x4  }
0xaa: {  	v63 =	vld.idx.msk [tilespmem:v36+s1+$0x0], $0xffff;
	_ =	sdelay $0x4  }
0xab: {  	v40 =	vadd.s32 $0x1, v36;
	vm15 =	vle.f32 v63, v35  }
0xac: {  	v35 =	vsel vm15, v40, v37  }
0xad: {  	v35 =	vmin.u32 v35, $0x7FF  }
0xae: {  	v41 =	vshll.u32 v35, $0x3;
	_ =	sdelay $0x3  }
0xaf: {  	[tilespmem:$0x4890] =	vst v35  }
0xb0: {  	v35 =	vld.idx.msk [tilespmem:v41+s10+$0x0], $0xffff  }
0xb1: {  	v42 =	vor.u32 $0x1, v41;
	_ =	sdelay $0x3  }
0xb2: {  	[tilespmem:v11+s12+$0x0] =	vst.idx.msk $0xffff, v35  }
0xb3: {  	v35 =	vld.idx.msk [tilespmem:v42+s10+$0x0], $0xffff  }
0xb4: {  	v43 =	vor.u32 $0x2, v41;
	_ =	sdelay $0x3  }
0xb5: {  	[tilespmem:v12+s12+$0x0] =	vst.idx.msk $0xffff, v35  }
0xb6: {  	v35 =	vld.idx.msk [tilespmem:v43+s10+$0x0], $0xffff  }
0xb7: {  	v44 =	vor.u32 $0x3, v41;
	_ =	sdelay $0x3  }
0xb8: {  	[tilespmem:v13+s12+$0x0] =	vst.idx.msk $0xffff, v35  }
0xb9: {  	v35 =	vld.idx.msk [tilespmem:v44+s10+$0x0], $0xffff  }
0xba: {  	v45 =	vor.u32 $0x4, v41;
	_ =	sdelay $0x3  }
0xbb: {  	[tilespmem:v14+s12+$0x0] =	vst.idx.msk $0xffff, v35  }
0xbc: {  	v35 =	vld.idx.msk [tilespmem:v45+s10+$0x0], $0xffff  }
0xbd: {  	v46 =	vor.u32 $0x5, v41;
	_ =	sdelay $0x3  }
0xbe: {  	[tilespmem:v15+s12+$0x0] =	vst.idx.msk $0xffff, v35  }
0xbf: {  	v35 =	vld.idx.msk [tilespmem:v46+s10+$0x0], $0xffff  }
0xc0: {  	v47 =	vor.u32 $0x6, v41;
	_ =	sdelay $0x3  }
0xc1: {  	[tilespmem:v16+s12+$0x0] =	vst.idx.msk $0xffff, v35  }
0xc2: {  	v35 =	vld.idx.msk [tilespmem:v47+s10+$0x0], $0xffff  }
0xc3: {  	v36 =	vor.u32 $0x7, v41;
	_ =	sdelay $0x3  }
0xc4: {  	[tilespmem:v17+s12+$0x0] =	vst.idx.msk $0xffff, v35  }
0xc5: {  	v35 =	vld.idx.msk [tilespmem:v36+s10+$0x0], $0xffff;
	_ =	sdelay $0x4  }
0xc6: {  	[tilespmem:v18+s12+$0x0] =	vst.idx.msk $0xffff, v35  }
0xc7: {  	v35 =	vld [tilespmem:$0x4820]  }
0xc8: {  	v48 =	vld.idx.msk [tilespmem:v1+s1+$0x0], $0xffff;
	_ =	sdelay $0x4  }
0xc9: {  	vm4 =	vle.f32 v48, v35  }
0xca: {  	v36 =	vsel vm4, $0x600, v3;
	_ =	sdelay $0x4  }
0xcb: {  	v49 =	vld.idx.msk [tilespmem:v36+s1+$0x0], $0xffff;
	_ =	sdelay $0x4  }
0xcc: {  	v50 =	vsel vm4, $0x800, v1;
	vm5 =	vle.f32 v49, v35  }
0xcd: {  	v51 =	vsel vm4, $0x401, v2;
	v52 =	vor.u32 $0x1, v36;
	v36 =	vsel vm5, v50, v36  }
0xce: {  	v37 =	vsel vm5, v52, v51;
	v38 =	vadd.s32 $0xFFFFFFFF, v36  }
0xcf: {  	v39 =	vxor.u32 v38, v37  }
0xd0: {  	v38 =	vor.u32 v38, v37;
	v39 =	vshrl.u32 v39, $0x1  }
0xd1: {  	v38 =	vsub.s32 v38, v39;
	_ =	sdelay $0x4  }
0xd2: {  	v39 =	vld.idx.msk [tilespmem:v38+s1+$0x0], $0xffff;
	_ =	sdelay $0x4  }
0xd3: {  	v53 =	vor.u32 $0x1, v38;
	vm6 =	vle.f32 v39, v35  }
0xd4: {  	v37 =	vsel vm6, v53, v37;
	v36 =	vsel vm6, v36, v38  }
0xd5: {  	v38 =	vxor.u32 v36, v37  }
0xd6: {  	v39 =	vand.u32 v36, v37;
	v38 =	vshrl.u32 v38, $0x1  }
0xd7: {  	v38 =	vadd.s32 v38, v39;
	_ =	sdelay $0x4  }
0xd8: {  	v39 =	vld.idx.msk [tilespmem:v38+s1+$0x0], $0xffff;
	_ =	sdelay $0x4  }
0xd9: {  	v54 =	vadd.s32 $0x1, v38;
	vm7 =	vle.f32 v39, v35  }
0xda: {  	v37 =	vsel vm7, v54, v37;
	v36 =	vsel vm7, v36, v38  }
0xdb: {  	v38 =	vadd.s32 v36, v37  }
0xdc: {  	v38 =	vshrl.u32 v38, $0x1;
	_ =	sdelay $0x4  }
0xdd: {  	v55 =	vld.idx.msk [tilespmem:v38+s1+$0x0], $0xffff;
	_ =	sdelay $0x4  }
0xde: {  	v56 =	vadd.s32 $0x1, v38;
	vm8 =	vle.f32 v55, v35  }
0xdf: {  	v37 =	vsel vm8, v56, v37;
	v36 =	vsel vm8, v36, v38  }
0xe0: {  	v38 =	vadd.s32 v36, v37  }
0xe1: {  	v38 =	vshrl.u32 v38, $0x1;
	_ =	sdelay $0x4  }
0xe2: {  	v57 =	vld.idx.msk [tilespmem:v38+s1+$0x0], $0xffff;
	_ =	sdelay $0x4  }
0xe3: {  	v58 =	vadd.s32 $0x1, v38;
	vm9 =	vle.f32 v57, v35  }
0xe4: {  	v37 =	vsel vm9, v58, v37;
	v36 =	vsel vm9, v36, v38  }
0xe5: {  	v38 =	vadd.s32 v36, v37  }
0xe6: {  	v38 =	vshrl.u32 v38, $0x1;
	_ =	sdelay $0x4  }
0xe7: {  	v59 =	vld.idx.msk [tilespmem:v38+s1+$0x0], $0xffff;
	_ =	sdelay $0x4  }
0xe8: {  	v60 =	vadd.s32 $0x1, v38;
	vm10 =	vle.f32 v59, v35  }
0xe9: {  	v37 =	vsel vm10, v60, v37;
	v36 =	vsel vm10, v36, v38  }
0xea: {  	v38 =	vadd.s32 v36, v37  }
0xeb: {  	v38 =	vshrl.u32 v38, $0x1;
	_ =	sdelay $0x4  }
0xec: {  	v61 =	vld.idx.msk [tilespmem:v38+s1+$0x0], $0xffff;
	_ =	sdelay $0x4  }
0xed: {  	v62 =	vadd.s32 $0x1, v38;
	vm11 =	vle.f32 v61, v35  }
0xee: {  	v37 =	vsel vm11, v62, v37;
	v36 =	vsel vm11, v36, v38  }
0xef: {  	v38 =	vadd.s32 v36, v37  }
0xf0: {  	v38 =	vshrl.u32 v38, $0x1;
	_ =	sdelay $0x4  }
0xf1: {  	v63 =	vld.idx.msk [tilespmem:v38+s1+$0x0], $0xffff;
	_ =	sdelay $0x4  }
0xf2: {  	v42 =	vadd.s32 $0x1, v38;
	vm12 =	vle.f32 v63, v35  }
0xf3: {  	v37 =	vsel vm12, v42, v37;
	v36 =	vsel vm12, v36, v38  }
0xf4: {  	v38 =	vadd.s32 v36, v37  }
0xf5: {  	v38 =	vshrl.u32 v38, $0x1;
	_ =	sdelay $0x4  }
0xf6: {  	v43 =	vld.idx.msk [tilespmem:v38+s1+$0x0], $0xffff;
	_ =	sdelay $0x4  }
0xf7: {  	v44 =	vadd.s32 $0x1, v38;
	vm13 =	vle.f32 v43, v35  }
0xf8: {  	v37 =	vsel vm13, v44, v37;
	v36 =	vsel vm13, v36, v38  }
0xf9: {  	v38 =	vadd.s32 v36, v37  }
0xfa: {  	v38 =	vshrl.u32 v38, $0x1;
	_ =	sdelay $0x4  }
0xfb: {  	v45 =	vld.idx.msk [tilespmem:v38+s1+$0x0], $0xffff;
	_ =	sdelay $0x4  }
0xfc: {  	v46 =	vadd.s32 $0x1, v38;
	vm14 =	vle.f32 v45, v35  }
0xfd: {  	v37 =	vsel vm14, v46, v37;
	v36 =	vsel vm14, v36, v38  }
0xfe: {  	v36 =	vadd.s32 v36, v37  }
0xff: {  	v36 =	vshrl.u32 v36, $0x1;
	_ =	sdelay $0x4  }
0x100: {  	v47 =	vld.idx.msk [tilespmem:v36+s1+$0x0], $0xffff;
	_ =	sdelay $0x4  }
0x101: {  	v48 =	vadd.s32 $0x1, v36;
	vm15 =	vle.f32 v47, v35  }
0x102: {  	v35 =	vsel vm15, v48, v37  }
0x103: {  	v35 =	vmin.u32 v35, $0x7FF  }
0x104: {  	v49 =	vshll.u32 v35, $0x3;
	_ =	sdelay $0x3  }
0x105: {  	[tilespmem:$0x48A0] =	vst v35  }
0x106: {  	v35 =	vld.idx.msk [tilespmem:v49+s10+$0x0], $0xffff  }
0x107: {  	v50 =	vor.u32 $0x1, v49;
	_ =	sdelay $0x3  }
0x108: {  	[tilespmem:v19+s12+$0x0] =	vst.idx.msk $0xffff, v35  }
0x109: {  	v35 =	vld.idx.msk [tilespmem:v50+s10+$0x0], $0xffff  }
0x10a: {  	v51 =	vor.u32 $0x2, v49;
	_ =	sdelay $0x3  }
0x10b: {  	[tilespmem:v20+s12+$0x0] =	vst.idx.msk $0xffff, v35  }
0x10c: {  	v35 =	vld.idx.msk [tilespmem:v51+s10+$0x0], $0xffff  }
0x10d: {  	v52 =	vor.u32 $0x3, v49;
	_ =	sdelay $0x3  }
0x10e: {  	[tilespmem:v21+s12+$0x0] =	vst.idx.msk $0xffff, v35  }
0x10f: {  	v35 =	vld.idx.msk [tilespmem:v52+s10+$0x0], $0xffff  }
0x110: {  	v53 =	vor.u32 $0x4, v49;
	_ =	sdelay $0x3  }
0x111: {  	[tilespmem:v22+s12+$0x0] =	vst.idx.msk $0xffff, v35  }
0x112: {  	v35 =	vld.idx.msk [tilespmem:v53+s10+$0x0], $0xffff  }
0x113: {  	v54 =	vor.u32 $0x5, v49;
	_ =	sdelay $0x3  }
0x114: {  	[tilespmem:v23+s12+$0x0] =	vst.idx.msk $0xffff, v35  }
0x115: {  	v35 =	vld.idx.msk [tilespmem:v54+s10+$0x0], $0xffff  }
0x116: {  	v55 =	vor.u32 $0x6, v49;
	_ =	sdelay $0x3  }
0x117: {  	[tilespmem:v24+s12+$0x0] =	vst.idx.msk $0xffff, v35  }
0x118: {  	v35 =	vld.idx.msk [tilespmem:v55+s10+$0x0], $0xffff  }
0x119: {  	v36 =	vor.u32 $0x7, v49;
	_ =	sdelay $0x3  }
0x11a: {  	[tilespmem:v25+s12+$0x0] =	vst.idx.msk $0xffff, v35  }
0x11b: {  	v35 =	vld.idx.msk [tilespmem:v36+s10+$0x0], $0xffff;
	_ =	sdelay $0x4  }
0x11c: {  	[tilespmem:v26+s12+$0x0] =	vst.idx.msk $0xffff, v35  }
0x11d: {  	v35 =	vld [tilespmem:$0x4830]  }
0x11e: {  	v56 =	vld.idx.msk [tilespmem:v1+s1+$0x0], $0xffff;
	_ =	sdelay $0x4  }
0x11f: {  	vm4 =	vle.f32 v56, v35  }
0x120: {  	v36 =	vsel vm4, $0x600, v3;
	_ =	sdelay $0x4  }
0x121: {  	v57 =	vld.idx.msk [tilespmem:v36+s1+$0x0], $0xffff;
	_ =	sdelay $0x4  }
0x122: {  	v58 =	vsel vm4, $0x800, v1;
	vm5 =	vle.f32 v57, v35  }
0x123: {  	v59 =	vsel vm4, $0x401, v2;
	v60 =	vor.u32 $0x1, v36;
	v36 =	vsel vm5, v58, v36  }
0x124: {  	v37 =	vsel vm5, v60, v59;
	v38 =	vadd.s32 $0xFFFFFFFF, v36  }
0x125: {  	v39 =	vxor.u32 v38, v37  }
0x126: {  	v38 =	vor.u32 v38, v37;
	v39 =	vshrl.u32 v39, $0x1  }
0x127: {  	v38 =	vsub.s32 v38, v39;
	_ =	sdelay $0x4  }
0x128: {  	v39 =	vld.idx.msk [tilespmem:v38+s1+$0x0], $0xffff;
	_ =	sdelay $0x4  }
0x129: {  	v61 =	vor.u32 $0x1, v38;
	vm6 =	vle.f32 v39, v35  }
0x12a: {  	v37 =	vsel vm6, v61, v37;
	v36 =	vsel vm6, v36, v38  }
0x12b: {  	v38 =	vxor.u32 v36, v37  }
0x12c: {  	v39 =	vand.u32 v36, v37;
	v38 =	vshrl.u32 v38, $0x1  }
0x12d: {  	v38 =	vadd.s32 v38, v39;
	_ =	sdelay $0x4  }
0x12e: {  	v39 =	vld.idx.msk [tilespmem:v38+s1+$0x0], $0xffff;
	_ =	sdelay $0x4  }
0x12f: {  	v62 =	vadd.s32 $0x1, v38;
	vm7 =	vle.f32 v39, v35  }
0x130: {  	v37 =	vsel vm7, v62, v37;
	v36 =	vsel vm7, v36, v38  }
0x131: {  	v38 =	vadd.s32 v36, v37  }
0x132: {  	v38 =	vshrl.u32 v38, $0x1;
	_ =	sdelay $0x4  }
0x133: {  	v63 =	vld.idx.msk [tilespmem:v38+s1+$0x0], $0xffff;
	_ =	sdelay $0x4  }
0x134: {  	v42 =	vadd.s32 $0x1, v38;
	vm8 =	vle.f32 v63, v35  }
0x135: {  	v37 =	vsel vm8, v42, v37;
	v36 =	vsel vm8, v36, v38  }
0x136: {  	v38 =	vadd.s32 v36, v37  }
0x137: {  	v38 =	vshrl.u32 v38, $0x1;
	_ =	sdelay $0x4  }
0x138: {  	v43 =	vld.idx.msk [tilespmem:v38+s1+$0x0], $0xffff;
	_ =	sdelay $0x4  }
0x139: {  	v44 =	vadd.s32 $0x1, v38;
	vm9 =	vle.f32 v43, v35  }
0x13a: {  	v37 =	vsel vm9, v44, v37;
	v36 =	vsel vm9, v36, v38  }
0x13b: {  	v38 =	vadd.s32 v36, v37  }
0x13c: {  	v38 =	vshrl.u32 v38, $0x1;
	_ =	sdelay $0x4  }
0x13d: {  	v45 =	vld.idx.msk [tilespmem:v38+s1+$0x0], $0xffff;
	_ =	sdelay $0x4  }
0x13e: {  	v46 =	vadd.s32 $0x1, v38;
	vm10 =	vle.f32 v45, v35  }
0x13f: {  	v37 =	vsel vm10, v46, v37;
	v36 =	vsel vm10, v36, v38  }
0x140: {  	v38 =	vadd.s32 v36, v37  }
0x141: {  	v38 =	vshrl.u32 v38, $0x1;
	_ =	sdelay $0x4  }
0x142: {  	v47 =	vld.idx.msk [tilespmem:v38+s1+$0x0], $0xffff;
	_ =	sdelay $0x4  }
0x143: {  	v48 =	vadd.s32 $0x1, v38;
	vm11 =	vle.f32 v47, v35  }
0x144: {  	v37 =	vsel vm11, v48, v37;
	v36 =	vsel vm11, v36, v38  }
0x145: {  	v38 =	vadd.s32 v36, v37  }
0x146: {  	v38 =	vshrl.u32 v38, $0x1;
	_ =	sdelay $0x4  }
0x147: {  	v49 =	vld.idx.msk [tilespmem:v38+s1+$0x0], $0xffff;
	_ =	sdelay $0x4  }
0x148: {  	v50 =	vadd.s32 $0x1, v38;
	vm12 =	vle.f32 v49, v35  }
0x149: {  	v37 =	vsel vm12, v50, v37;
	v36 =	vsel vm12, v36, v38  }
0x14a: {  	v38 =	vadd.s32 v36, v37  }
0x14b: {  	v38 =	vshrl.u32 v38, $0x1;
	_ =	sdelay $0x4  }
0x14c: {  	v51 =	vld.idx.msk [tilespmem:v38+s1+$0x0], $0xffff;
	_ =	sdelay $0x4  }
0x14d: {  	v52 =	vadd.s32 $0x1, v38;
	vm13 =	vle.f32 v51, v35  }
0x14e: {  	v37 =	vsel vm13, v52, v37;
	v36 =	vsel vm13, v36, v38  }
0x14f: {  	v38 =	vadd.s32 v36, v37  }
0x150: {  	v38 =	vshrl.u32 v38, $0x1;
	_ =	sdelay $0x4  }
0x151: {  	v53 =	vld.idx.msk [tilespmem:v38+s1+$0x0], $0xffff;
	_ =	sdelay $0x4  }
0x152: {  	v54 =	vadd.s32 $0x1, v38;
	vm14 =	vle.f32 v53, v35  }
0x153: {  	v37 =	vsel vm14, v54, v37;
	v36 =	vsel vm14, v36, v38  }
0x154: {  	v36 =	vadd.s32 v36, v37  }
0x155: {  	v36 =	vshrl.u32 v36, $0x1;
	_ =	sdelay $0x4  }
0x156: {  	v55 =	vld.idx.msk [tilespmem:v36+s1+$0x0], $0xffff;
	_ =	sdelay $0x4  }
0x157: {  	v56 =	vadd.s32 $0x1, v36;
	vm15 =	vle.f32 v55, v35  }
0x158: {  	v35 =	vsel vm15, v56, v37  }
0x159: {  	v35 =	vmin.u32 v35, $0x7FF  }
0x15a: {  	v57 =	vshll.u32 v35, $0x3;
	_ =	sdelay $0x3  }
0x15b: {  	[tilespmem:$0x48B0] =	vst v35  }
0x15c: {  	v35 =	vld.idx.msk [tilespmem:v57+s10+$0x0], $0xffff  }
0x15d: {  	v58 =	vor.u32 $0x1, v57;
	_ =	sdelay $0x3  }
0x15e: {  	[tilespmem:v27+s12+$0x0] =	vst.idx.msk $0xffff, v35  }
0x15f: {  	v35 =	vld.idx.msk [tilespmem:v58+s10+$0x0], $0xffff  }
0x160: {  	v59 =	vor.u32 $0x2, v57;
	_ =	sdelay $0x3  }
0x161: {  	[tilespmem:v28+s12+$0x0] =	vst.idx.msk $0xffff, v35  }
0x162: {  	v35 =	vld.idx.msk [tilespmem:v59+s10+$0x0], $0xffff  }
0x163: {  	v60 =	vor.u32 $0x3, v57;
	_ =	sdelay $0x3  }
0x164: {  	[tilespmem:v29+s12+$0x0] =	vst.idx.msk $0xffff, v35  }
0x165: {  	v35 =	vld.idx.msk [tilespmem:v60+s10+$0x0], $0xffff  }
0x166: {  	v61 =	vor.u32 $0x4, v57;
	_ =	sdelay $0x3  }
0x167: {  	[tilespmem:v30+s12+$0x0] =	vst.idx.msk $0xffff, v35  }
0x168: {  	v35 =	vld.idx.msk [tilespmem:v61+s10+$0x0], $0xffff  }
0x169: {  	v62 =	vor.u32 $0x5, v57;
	_ =	sdelay $0x3  }
0x16a: {  	[tilespmem:v31+s12+$0x0] =	vst.idx.msk $0xffff, v35  }
0x16b: {  	v35 =	vld.idx.msk [tilespmem:v62+s10+$0x0], $0xffff  }
0x16c: {  	v63 =	vor.u32 $0x6, v57;
	_ =	sdelay $0x3  }
0x16d: {  	[tilespmem:v32+s12+$0x0] =	vst.idx.msk $0xffff, v35  }
0x16e: {  	v35 =	vld.idx.msk [tilespmem:v63+s10+$0x0], $0xffff  }
0x16f: {  	v36 =	vor.u32 $0x7, v57;
	_ =	sdelay $0x3  }
0x170: {  	[tilespmem:v33+s12+$0x0] =	vst.idx.msk $0xffff, v35  }
0x171: {  	v35 =	vld.idx.msk [tilespmem:v36+s10+$0x0], $0xffff;
	_ =	sdelay $0x4  }
0x172: {  	[tilespmem:v34+s12+$0x0] =	vst.idx.msk $0xffff, v35  }
0x173: {  	[hbm4b:s5+s1] =	stream.linear.scatter [tilespmem:s13], [sflag:$0x1], $0x40, $0x38;
	[tilespmem:$0x4B00] =	vst v63  }
0x174: {  	_ =	swait.ge [sflag:s9], $0x40  }
0x175: {  	p0 =	sne.s32 s8, $0x1;
	[sflag:s9] =	ssyncset.done $0x0  }
.Ltmp0:
0x176: {  	[sflag:s9] =	ssyncadd.s32 $0xFFFFFFC0;
	(pc) =	sbr.rel @p0 .LBB2_1-.Ltmp0, $4  }
0x177: {  	[hbm4b:s7+s1] =	stream.linear.scatter [tilespmem:s12], [sflag:$0x1], $0x200, $0x38;
	[tilespmem:$0x4B00] =	vst v63  }
0x178: {  	_ =	swait.ge [sflag:s9], $0x200  }
0x179: {  	[sflag:s9] =	ssyncset.done $0x0  }
0x17a: {  	s8 =	sadd.s32 $0xFFFFFFFF, s8;
	[sflag:s9] =	ssyncadd.s32 $0xFFFFFE00  }
0x17b: {  	_ =	sfence.sel $0x180000  }
0x17c: {  	[bflag:$0x0] =	sbarrier.arrive $0xFFFF  }
0x17d: {  	p0 =	sne.s32 s2, $0x0;
	_ =	strace $0x90000047  }
0x17e: {  	s0 =	sadd.s32 @!p0 $0x100000, s0;
	[bflag:$0x2] =	sbarrier.arrive $0xFFFF  }
0x17f: {  	[sflag:s0] =	ssyncadd.tile.s32 @!p0 $0x1;
	_ =	shalt  }
.Lfunc_end2:
_tile_overlayer_lowered:
.L_overlay_start_2:
0x180: {  	(tag) =	ssettag $0x2  }
0x181: {  	s0 =	rddreg [dreg:$0x0];
	s2 =	stileid.u32  }
0x182: {  	s1 =	rddreg [dreg:$0x1];
	p0 =	sne.s32 s2, $0x0  }
0x183: {  	s3 =	rddreg [dreg:$0x2];
	[bflag:$0x3] =	sbarrier.arrive $0xFFFF;
	s2 =	simm.s32 @!p0 $0x1C01  }
0x184: {  	[timem:s3], [sflag:s2] =	dma.local @!p0 [hbm:s0], s1  }
0x185: {  	s0 =	simm.s32 @!p0 $0x1  }
0x186: {  	_ =	swait.ge @!p0 [sflag:s0], s1  }
0x187: {  	s1 =	ssub.s32 @!p0 $0x0, s1;
	[sflag:s0] =	ssyncset.done @!p0 $0x0  }
0x188: {  	[sflag:s0] =	ssyncadd.s32 @!p0 s1  }
0x189: {  	[bflag:$0x3] =	sbarrier.arrive $0xFFFF  }
0x18a: {  	_ =	shalt  }

</sc_bundles>
